<compile_context>
chip_gen: v7x
topology: tpu7x:2x2x1
jax: 0.10.2.dev20260603
libtpu: 0.0.44.dev20260713+nightly
codegen_flags: <defaults>
</compile_context>

<pallas_src>
import functools

import jax
import jax.numpy as jnp
from jax import lax
from jax.experimental import pallas as pl
from jax.experimental.pallas import tpu as pltpu
from jax.experimental.pallas import tpu_sc as plsc

_NC, _NS, _L = 2, 16, 16
_B = 16384
_COLS = 3
_CATS = 4096
_RANK = 16
_HRANK = _RANK // 2
_NPAIR = _NC * _NS // 2
_BPP = _B // _NPAIR
_GROUPS = _BPP // _L

_mesh = plsc.VectorSubcoreMesh(
    core_axis_name="c", subcore_axis_name="s",
    num_cores=_NC, num_subcores=_NS)


@functools.partial(
    pl.kernel,
    out_type=jax.ShapeDtypeStruct((_B,), jnp.float32),
    mesh=_mesh,
    compiler_params=pltpu.CompilerParams(
        needs_layout_passes=False, use_tc_tiling_on_sc=False),
    scratch_types=[
        pltpu.VMEM((_COLS * _BPP,), jnp.int32),
        pltpu.VMEM((_COLS * _BPP,), jnp.int32),
        pltpu.VMEM((_HRANK, _COLS * _CATS), jnp.float32),
        pltpu.VMEM((_COLS * _CATS,), jnp.float32),
        pltpu.VMEM((_BPP,), jnp.float32),
        pltpu.VMEM((_BPP,), jnp.float32),
        pltpu.VMEM_SHARED((_NS * _BPP,), jnp.float32),
        pltpu.SemaphoreType.DMA,
    ],
)
def _index_kernel(xo_hbm, yo_hbm, sft_hbm, stds_hbm, out_hbm,
                  xi_v, yi_v, tab_v, stds_v, pacc_v, tmp_v, shared, sem):
    c = lax.axis_index("c")
    s = lax.axis_index("s")
    h = s & 1
    pair = c * (_NS // 2) + (s >> 1)
    base = pair * _BPP

    tab_copy = pltpu.async_copy(
        sft_hbm.at[pl.ds(h * _HRANK, _HRANK), :], tab_v, sem)
    pltpu.sync_copy(stds_hbm, stds_v)
    for i in range(_COLS):
        pltpu.sync_copy(xo_hbm.at[pl.ds(i * _B + base, _BPP)],
                        xi_v.at[pl.ds(i * _BPP, _BPP)])
        pltpu.sync_copy(yo_hbm.at[pl.ds(i * _B + base, _BPP)],
                        yi_v.at[pl.ds(i * _BPP, _BPP)])

    iota = lax.iota(jnp.int32, _L)
    zero = jnp.zeros((_L,), jnp.float32)

    @pl.when(h == 0)
    def _diag():
        def diag_body(g, carry):
            b0 = g * _L
            acc = zero
            for i in range(_COLS):
                xv = xi_v[pl.ds(i * _BPP + b0, _L)]
                yv = yi_v[pl.ds(i * _BPP + b0, _L)]
                sv = plsc.load_gather(stds_v, [xv])
                acc = acc + jnp.where(xv == yv, sv * sv, zero)
            pacc_v[pl.ds(b0, _L)] = acc
            return carry
        lax.fori_loop(0, _GROUPS, diag_body, 0, unroll=2)

    @pl.when(h != 0)
    def _zero():
        def zero_body(g, carry):
            pacc_v[pl.ds(g * _L, _L)] = zero
            return carry
        lax.fori_loop(0, _GROUPS, zero_body, 0, unroll=2)

    tab_copy.wait()

    def body(g, carry):
        b0 = g * _L
        accs = [pacc_v[pl.ds(b0, _L)], zero, zero, zero]
        for i in range(_COLS):
            xv = xi_v[pl.ds(i * _BPP + b0, _L)]
            yv = yi_v[pl.ds(i * _BPP + b0, _L)]
            for r in range(_HRANK):
                rr = jnp.full((_L,), r, jnp.int32)
                fx = plsc.load_gather(tab_v, [rr, xv])
                fy = plsc.load_gather(tab_v, [rr, yv])
                p = fx * fy
                accs[r % 4] = accs[r % 4] + p * p
        pacc_v[pl.ds(b0, _L)] = (accs[0] + accs[1]) + (accs[2] + accs[3])
        return carry

    lax.fori_loop(0, _GROUPS, body, 0, unroll=2)

    pltpu.sync_copy(pacc_v, shared.at[pl.ds(s * _BPP, _BPP)])
    plsc.subcore_barrier()

    @pl.when(h == 0)
    def _combine():
        pltpu.sync_copy(shared.at[pl.ds((s + 1) * _BPP, _BPP)], tmp_v)

        def add_body(g, carry):
            b0 = g * _L
            pacc_v[pl.ds(b0, _L)] = (
                pacc_v[pl.ds(b0, _L)] + tmp_v[pl.ds(b0, _L)])
            return carry
        lax.fori_loop(0, _GROUPS, add_body, 0, unroll=4)
        pltpu.sync_copy(pacc_v, out_hbm.at[pl.ds(base, _BPP)])


def kernel(x, y, sqrt_covar_factors, stds):
    off = jnp.arange(_COLS, dtype=jnp.int32) * _CATS
    xo = (x + off[None, :]).T.reshape(_COLS * _B)
    yo = (y + off[None, :]).T.reshape(_COLS * _B)
    sft = jnp.transpose(sqrt_covar_factors, (2, 0, 1)).reshape(
        _RANK, _COLS * _CATS)
    stds_flat = stds.reshape(_COLS * _CATS)
    return _index_kernel(xo, yo, sft, stds_flat)

# --- scband reference (transcript-rebuilt; emitter-appended) ---
"""Pipeline reference for scband-index-kernel-38216619000010 (READ-ONLY COPY).

The authoritative reference and input builder live on the scoring server;
editing this copy changes nothing except your own understanding.
"""

import jax, jax.numpy as jnp
import numpy as np

NB_CATEGORY = 4096
RANK = 16
N_COLS = 3
BATCH = 16384
FRACTION_DIAGONAL = 0.9


def setup_inputs(seed: int = 0) -> dict:
    key = jax.random.key(seed)
    kx, ky = jax.random.split(key, 2)
    x = jax.random.randint(kx, (BATCH, N_COLS), 0, NB_CATEGORY, dtype=jnp.int64 if jax.config.jax_enable_x64 else jnp.int32).astype(jnp.int32)
    y = jax.random.randint(ky, (BATCH, N_COLS), 0, NB_CATEGORY, dtype=jnp.int64 if jax.config.jax_enable_x64 else jnp.int32).astype(jnp.int32)
    # Parameters exactly as torch init: sqrt_covar_factor = sqrt((1-fd)/sqrt(rank)) * ones, std = fd * ones
    w = np.sqrt((1.0 - FRACTION_DIAGONAL) / np.sqrt(RANK))
    sqrt_covar_factors = jnp.full((N_COLS, NB_CATEGORY, RANK), w, dtype=jnp.float32)
    stds = jnp.full((N_COLS, NB_CATEGORY), FRACTION_DIAGONAL, dtype=jnp.float32)
    return {"x": x, "y": y, "sqrt_covar_factors": sqrt_covar_factors, "stds": stds}


def reference(x, y, sqrt_covar_factors, stds):
    # IndexKernel with should_reduce=True: sum over per-column IndexKernelSingle outputs
    total = jnp.zeros((x.shape[0],), dtype=jnp.float32)
    for i in range(N_COLS):
        covar_factor = sqrt_covar_factors[i] * sqrt_covar_factors[i]
        covariance = jnp.matmul(covar_factor, covar_factor.T)
        covariance = covariance + jnp.diag(stds[i] * stds[i])
        total = total + covariance[x[:, i], y[:, i]]
    return total

if __name__ == "__main__":
    import jax
    _d = setup_inputs()
    print(jax.jit(kernel)(*tuple(_d.values())))

</pallas_src>

<mosaic_0001>
#map = affine_map<(d0, d1) -> (0)>
#map1 = affine_map<(d0, d1) -> (0, 0)>
module attributes {stable_mosaic.version = 14 : i64} {
  func.func @_index_kernel(%arg0: i32, %arg1: i32, %arg2: memref<49152xi32, #tpu.memory_space<hbm>>, %arg3: memref<49152xi32, #tpu.memory_space<hbm>>, %arg4: memref<16x12288xf32, #tpu.memory_space<hbm>>, %arg5: memref<12288xf32, #tpu.memory_space<hbm>>, %arg6: memref<16384xf32, #tpu.memory_space<hbm>>, %arg7: memref<3072xi32, #tpu.memory_space<vmem>>, %arg8: memref<3072xi32, #tpu.memory_space<vmem>>, %arg9: memref<8x12288xf32, #tpu.memory_space<vmem>>, %arg10: memref<12288xf32, #tpu.memory_space<vmem>>, %arg11: memref<1024xf32, #tpu.memory_space<vmem>>, %arg12: memref<1024xf32, #tpu.memory_space<vmem>>, %arg13: memref<16384xf32, #tpu.memory_space<vmem_shared>>, %arg14: memref<!tpu.dma_semaphore, #tpu.memory_space<semaphore_mem>>) attributes {dimension_semantics = [#tpu.dimension_semantics<core_parallel>, #tpu.dimension_semantics<subcore_parallel>], iteration_bounds = array<i64: 2, 16>, scalar_prefetch = 0 : i64, scratch_operands = 8 : i64, tpu.core_type = #tpu.core_type<sc_vector_subcore>, window_params = [{transform_indices = #map}, {transform_indices = #map}, {transform_indices = #map1}, {transform_indices = #map}, {transform_indices = #map}]} {
    %and3A = arith.constant 1 : i32
    %and3A_0 = arith.andi %arg1, %and3A : i32
    %mul3A = arith.constant 8 : i32
    %mul3A_1 = arith.muli %arg0, %mul3A : i32
    %shift_right_arithmetic3A = arith.constant 1 : i32
    %shift_right_arithmetic3A_2 = arith.shrsi %arg1, %shift_right_arithmetic3A : i32
    %add3A = arith.addi %mul3A_1, %shift_right_arithmetic3A_2 : i32
    %mul3A_3 = arith.constant 1024 : i32
    %mul3A_4 = arith.muli %add3A, %mul3A_3 : i32
    %mul3A_5 = arith.constant 8 : i32
    %mul3A_6 = arith.muli %and3A_0, %mul3A_5 : i32
    %dma_start3A = arith.constant 0 : i32
    %dma_start3A_7 = tpu.memref_slice %arg4[%mul3A_6, %dma_start3A] : memref<16x12288xf32, #tpu.memory_space<hbm>> -> memref<8x12288xf32, #tpu.memory_space<hbm>>
    %dma_start3A_8 = arith.constant 0 : i32
    %dma_start3A_9 = tpu.memref_slice %arg4[%mul3A_6, %dma_start3A_8] : memref<16x12288xf32, #tpu.memory_space<hbm>> -> memref<8x12288xf32, #tpu.memory_space<hbm>>
    tpu.enqueue_dma source(%dma_start3A_9 : memref<8x12288xf32, #tpu.memory_space<hbm>>) target(%arg9 : memref<8x12288xf32, #tpu.memory_space<vmem>>) target_semaphore(%arg14 : memref<!tpu.dma_semaphore, #tpu.memory_space<semaphore_mem>>)
    "tpu.region"() ({
      %run_scoped3A = tpu.sem_alloc : memref<!tpu.dma_semaphore, #tpu.memory_space<semaphore_mem>>
      tpu.enqueue_dma source(%arg5 : memref<12288xf32, #tpu.memory_space<hbm>>) target(%arg10 : memref<12288xf32, #tpu.memory_space<vmem>>) target_semaphore(%run_scoped3A : memref<!tpu.dma_semaphore, #tpu.memory_space<semaphore_mem>>)
      tpu.wait_dma2 semaphore(%run_scoped3A : memref<!tpu.dma_semaphore, #tpu.memory_space<semaphore_mem>>) src(%arg5 : memref<12288xf32, #tpu.memory_space<hbm>>) dst(%arg10 : memref<12288xf32, #tpu.memory_space<vmem>>)
      tpu.yield
    }) : () -> ()
    %add3A_10 = arith.constant 0 : i32
    %add3A_11 = arith.addi %add3A_10, %mul3A_4 : i32
    "tpu.region"() ({
      %run_scoped3A = tpu.sem_alloc : memref<!tpu.dma_semaphore, #tpu.memory_space<semaphore_mem>>
      %dma_start3A_44 = arith.constant 0 : i32
      %dma_start3A_45 = tpu.memref_slice %arg7[%dma_start3A_44] : memref<3072xi32, #tpu.memory_space<vmem>> -> memref<1024xi32, #tpu.memory_space<vmem>>
      %dma_start3A_46 = tpu.memref_slice %arg2[%add3A_11] : memref<49152xi32, #tpu.memory_space<hbm>> -> memref<1024xi32, #tpu.memory_space<hbm>>
      %dma_start3A_47 = arith.constant 0 : i32
      %dma_start3A_48 = tpu.memref_slice %arg7[%dma_start3A_47] : memref<3072xi32, #tpu.memory_space<vmem>> -> memref<1024xi32, #tpu.memory_space<vmem>>
      %dma_start3A_49 = tpu.memref_slice %arg2[%add3A_11] : memref<49152xi32, #tpu.memory_space<hbm>> -> memref<1024xi32, #tpu.memory_space<hbm>>
      tpu.enqueue_dma source(%dma_start3A_49 : memref<1024xi32, #tpu.memory_space<hbm>>) target(%dma_start3A_48 : memref<1024xi32, #tpu.memory_space<vmem>>) target_semaphore(%run_scoped3A : memref<!tpu.dma_semaphore, #tpu.memory_space<semaphore_mem>>)
      %dma_wait3A_50 = arith.constant 0 : i32
      %dma_wait3A_51 = tpu.memref_slice %arg7[%dma_wait3A_50] : memref<3072xi32, #tpu.memory_space<vmem>> -> memref<1024xi32, #tpu.memory_space<vmem>>
      %dma_wait3A_52 = tpu.memref_slice %arg2[%add3A_11] : memref<49152xi32, #tpu.memory_space<hbm>> -> memref<1024xi32, #tpu.memory_space<hbm>>
      %dma_wait3A_53 = arith.constant 0 : i32
      %dma_wait3A_54 = tpu.memref_slice %arg7[%dma_wait3A_53] : memref<3072xi32, #tpu.memory_space<vmem>> -> memref<1024xi32, #tpu.memory_space<vmem>>
      %dma_wait3A_55 = tpu.memref_slice %arg2[%add3A_11] : memref<49152xi32, #tpu.memory_space<hbm>> -> memref<1024xi32, #tpu.memory_space<hbm>>
      tpu.wait_dma2 semaphore(%run_scoped3A : memref<!tpu.dma_semaphore, #tpu.memory_space<semaphore_mem>>) src(%dma_wait3A_55 : memref<1024xi32, #tpu.memory_space<hbm>>) dst(%dma_wait3A_54 : memref<1024xi32, #tpu.memory_space<vmem>>)
      tpu.yield
    }) : () -> ()
    %add3A_12 = arith.constant 0 : i32
    %add3A_13 = arith.addi %add3A_12, %mul3A_4 : i32
    "tpu.region"() ({
      %run_scoped3A = tpu.sem_alloc : memref<!tpu.dma_semaphore, #tpu.memory_space<semaphore_mem>>
      %dma_start3A_44 = arith.constant 0 : i32
      %dma_start3A_45 = tpu.memref_slice %arg8[%dma_start3A_44] : memref<3072xi32, #tpu.memory_space<vmem>> -> memref<1024xi32, #tpu.memory_space<vmem>>
      %dma_start3A_46 = tpu.memref_slice %arg3[%add3A_13] : memref<49152xi32, #tpu.memory_space<hbm>> -> memref<1024xi32, #tpu.memory_space<hbm>>
      %dma_start3A_47 = arith.constant 0 : i32
      %dma_start3A_48 = tpu.memref_slice %arg8[%dma_start3A_47] : memref<3072xi32, #tpu.memory_space<vmem>> -> memref<1024xi32, #tpu.memory_space<vmem>>
      %dma_start3A_49 = tpu.memref_slice %arg3[%add3A_13] : memref<49152xi32, #tpu.memory_space<hbm>> -> memref<1024xi32, #tpu.memory_space<hbm>>
      tpu.enqueue_dma source(%dma_start3A_49 : memref<1024xi32, #tpu.memory_space<hbm>>) target(%dma_start3A_48 : memref<1024xi32, #tpu.memory_space<vmem>>) target_semaphore(%run_scoped3A : memref<!tpu.dma_semaphore, #tpu.memory_space<semaphore_mem>>)
      %dma_wait3A_50 = arith.constant 0 : i32
      %dma_wait3A_51 = tpu.memref_slice %arg8[%dma_wait3A_50] : memref<3072xi32, #tpu.memory_space<vmem>> -> memref<1024xi32, #tpu.memory_space<vmem>>
      %dma_wait3A_52 = tpu.memref_slice %arg3[%add3A_13] : memref<49152xi32, #tpu.memory_space<hbm>> -> memref<1024xi32, #tpu.memory_space<hbm>>
      %dma_wait3A_53 = arith.constant 0 : i32
      %dma_wait3A_54 = tpu.memref_slice %arg8[%dma_wait3A_53] : memref<3072xi32, #tpu.memory_space<vmem>> -> memref<1024xi32, #tpu.memory_space<vmem>>
      %dma_wait3A_55 = tpu.memref_slice %arg3[%add3A_13] : memref<49152xi32, #tpu.memory_space<hbm>> -> memref<1024xi32, #tpu.memory_space<hbm>>
      tpu.wait_dma2 semaphore(%run_scoped3A : memref<!tpu.dma_semaphore, #tpu.memory_space<semaphore_mem>>) src(%dma_wait3A_55 : memref<1024xi32, #tpu.memory_space<hbm>>) dst(%dma_wait3A_54 : memref<1024xi32, #tpu.memory_space<vmem>>)
      tpu.yield
    }) : () -> ()
    %add3A_14 = arith.constant 16384 : i32
    %add3A_15 = arith.addi %add3A_14, %mul3A_4 : i32
    "tpu.region"() ({
      %run_scoped3A = tpu.sem_alloc : memref<!tpu.dma_semaphore, #tpu.memory_space<semaphore_mem>>
      %dma_start3A_44 = arith.constant 1024 : i32
      %dma_start3A_45 = tpu.memref_slice %arg7[%dma_start3A_44] : memref<3072xi32, #tpu.memory_space<vmem>> -> memref<1024xi32, #tpu.memory_space<vmem>>
      %dma_start3A_46 = tpu.memref_slice %arg2[%add3A_15] : memref<49152xi32, #tpu.memory_space<hbm>> -> memref<1024xi32, #tpu.memory_space<hbm>>
      %dma_start3A_47 = arith.constant 1024 : i32
      %dma_start3A_48 = tpu.memref_slice %arg7[%dma_start3A_47] : memref<3072xi32, #tpu.memory_space<vmem>> -> memref<1024xi32, #tpu.memory_space<vmem>>
      %dma_start3A_49 = tpu.memref_slice %arg2[%add3A_15] : memref<49152xi32, #tpu.memory_space<hbm>> -> memref<1024xi32, #tpu.memory_space<hbm>>
      tpu.enqueue_dma source(%dma_start3A_49 : memref<1024xi32, #tpu.memory_space<hbm>>) target(%dma_start3A_48 : memref<1024xi32, #tpu.memory_space<vmem>>) target_semaphore(%run_scoped3A : memref<!tpu.dma_semaphore, #tpu.memory_space<semaphore_mem>>)
      %dma_wait3A_50 = arith.constant 1024 : i32
      %dma_wait3A_51 = tpu.memref_slice %arg7[%dma_wait3A_50] : memref<3072xi32, #tpu.memory_space<vmem>> -> memref<1024xi32, #tpu.memory_space<vmem>>
      %dma_wait3A_52 = tpu.memref_slice %arg2[%add3A_15] : memref<49152xi32, #tpu.memory_space<hbm>> -> memref<1024xi32, #tpu.memory_space<hbm>>
      %dma_wait3A_53 = arith.constant 1024 : i32
      %dma_wait3A_54 = tpu.memref_slice %arg7[%dma_wait3A_53] : memref<3072xi32, #tpu.memory_space<vmem>> -> memref<1024xi32, #tpu.memory_space<vmem>>
      %dma_wait3A_55 = tpu.memref_slice %arg2[%add3A_15] : memref<49152xi32, #tpu.memory_space<hbm>> -> memref<1024xi32, #tpu.memory_space<hbm>>
      tpu.wait_dma2 semaphore(%run_scoped3A : memref<!tpu.dma_semaphore, #tpu.memory_space<semaphore_mem>>) src(%dma_wait3A_55 : memref<1024xi32, #tpu.memory_space<hbm>>) dst(%dma_wait3A_54 : memref<1024xi32, #tpu.memory_space<vmem>>)
      tpu.yield
    }) : () -> ()
    %add3A_16 = arith.constant 16384 : i32
    %add3A_17 = arith.addi %add3A_16, %mul3A_4 : i32
    "tpu.region"() ({
      %run_scoped3A = tpu.sem_alloc : memref<!tpu.dma_semaphore, #tpu.memory_space<semaphore_mem>>
      %dma_start3A_44 = arith.constant 1024 : i32
      %dma_start3A_45 = tpu.memref_slice %arg8[%dma_start3A_44] : memref<3072xi32, #tpu.memory_space<vmem>> -> memref<1024xi32, #tpu.memory_space<vmem>>
      %dma_start3A_46 = tpu.memref_slice %arg3[%add3A_17] : memref<49152xi32, #tpu.memory_space<hbm>> -> memref<1024xi32, #tpu.memory_space<hbm>>
      %dma_start3A_47 = arith.constant 1024 : i32
      %dma_start3A_48 = tpu.memref_slice %arg8[%dma_start3A_47] : memref<3072xi32, #tpu.memory_space<vmem>> -> memref<1024xi32, #tpu.memory_space<vmem>>
      %dma_start3A_49 = tpu.memref_slice %arg3[%add3A_17] : memref<49152xi32, #tpu.memory_space<hbm>> -> memref<1024xi32, #tpu.memory_space<hbm>>
      tpu.enqueue_dma source(%dma_start3A_49 : memref<1024xi32, #tpu.memory_space<hbm>>) target(%dma_start3A_48 : memref<1024xi32, #tpu.memory_space<vmem>>) target_semaphore(%run_scoped3A : memref<!tpu.dma_semaphore, #tpu.memory_space<semaphore_mem>>)
      %dma_wait3A_50 = arith.constant 1024 : i32
      %dma_wait3A_51 = tpu.memref_slice %arg8[%dma_wait3A_50] : memref<3072xi32, #tpu.memory_space<vmem>> -> memref<1024xi32, #tpu.memory_space<vmem>>
      %dma_wait3A_52 = tpu.memref_slice %arg3[%add3A_17] : memref<49152xi32, #tpu.memory_space<hbm>> -> memref<1024xi32, #tpu.memory_space<hbm>>
      %dma_wait3A_53 = arith.constant 1024 : i32
      %dma_wait3A_54 = tpu.memref_slice %arg8[%dma_wait3A_53] : memref<3072xi32, #tpu.memory_space<vmem>> -> memref<1024xi32, #tpu.memory_space<vmem>>
      %dma_wait3A_55 = tpu.memref_slice %arg3[%add3A_17] : memref<49152xi32, #tpu.memory_space<hbm>> -> memref<1024xi32, #tpu.memory_space<hbm>>
      tpu.wait_dma2 semaphore(%run_scoped3A : memref<!tpu.dma_semaphore, #tpu.memory_space<semaphore_mem>>) src(%dma_wait3A_55 : memref<1024xi32, #tpu.memory_space<hbm>>) dst(%dma_wait3A_54 : memref<1024xi32, #tpu.memory_space<vmem>>)
      tpu.yield
    }) : () -> ()
    %add3A_18 = arith.constant 32768 : i32
    %add3A_19 = arith.addi %add3A_18, %mul3A_4 : i32
    "tpu.region"() ({
      %run_scoped3A = tpu.sem_alloc : memref<!tpu.dma_semaphore, #tpu.memory_space<semaphore_mem>>
      %dma_start3A_44 = arith.constant 2048 : i32
      %dma_start3A_45 = tpu.memref_slice %arg7[%dma_start3A_44] : memref<3072xi32, #tpu.memory_space<vmem>> -> memref<1024xi32, #tpu.memory_space<vmem>>
      %dma_start3A_46 = tpu.memref_slice %arg2[%add3A_19] : memref<49152xi32, #tpu.memory_space<hbm>> -> memref<1024xi32, #tpu.memory_space<hbm>>
      %dma_start3A_47 = arith.constant 2048 : i32
      %dma_start3A_48 = tpu.memref_slice %arg7[%dma_start3A_47] : memref<3072xi32, #tpu.memory_space<vmem>> -> memref<1024xi32, #tpu.memory_space<vmem>>
      %dma_start3A_49 = tpu.memref_slice %arg2[%add3A_19] : memref<49152xi32, #tpu.memory_space<hbm>> -> memref<1024xi32, #tpu.memory_space<hbm>>
      tpu.enqueue_dma source(%dma_start3A_49 : memref<1024xi32, #tpu.memory_space<hbm>>) target(%dma_start3A_48 : memref<1024xi32, #tpu.memory_space<vmem>>) target_semaphore(%run_scoped3A : memref<!tpu.dma_semaphore, #tpu.memory_space<semaphore_mem>>)
      %dma_wait3A_50 = arith.constant 2048 : i32
      %dma_wait3A_51 = tpu.memref_slice %arg7[%dma_wait3A_50] : memref<3072xi32, #tpu.memory_space<vmem>> -> memref<1024xi32, #tpu.memory_space<vmem>>
      %dma_wait3A_52 = tpu.memref_slice %arg2[%add3A_19] : memref<49152xi32, #tpu.memory_space<hbm>> -> memref<1024xi32, #tpu.memory_space<hbm>>
      %dma_wait3A_53 = arith.constant 2048 : i32
      %dma_wait3A_54 = tpu.memref_slice %arg7[%dma_wait3A_53] : memref<3072xi32, #tpu.memory_space<vmem>> -> memref<1024xi32, #tpu.memory_space<vmem>>
      %dma_wait3A_55 = tpu.memref_slice %arg2[%add3A_19] : memref<49152xi32, #tpu.memory_space<hbm>> -> memref<1024xi32, #tpu.memory_space<hbm>>
      tpu.wait_dma2 semaphore(%run_scoped3A : memref<!tpu.dma_semaphore, #tpu.memory_space<semaphore_mem>>) src(%dma_wait3A_55 : memref<1024xi32, #tpu.memory_space<hbm>>) dst(%dma_wait3A_54 : memref<1024xi32, #tpu.memory_space<vmem>>)
      tpu.yield
    }) : () -> ()
    %add3A_20 = arith.constant 32768 : i32
    %add3A_21 = arith.addi %add3A_20, %mul3A_4 : i32
    "tpu.region"() ({
      %run_scoped3A = tpu.sem_alloc : memref<!tpu.dma_semaphore, #tpu.memory_space<semaphore_mem>>
      %dma_start3A_44 = arith.constant 2048 : i32
      %dma_start3A_45 = tpu.memref_slice %arg8[%dma_start3A_44] : memref<3072xi32, #tpu.memory_space<vmem>> -> memref<1024xi32, #tpu.memory_space<vmem>>
      %dma_start3A_46 = tpu.memref_slice %arg3[%add3A_21] : memref<49152xi32, #tpu.memory_space<hbm>> -> memref<1024xi32, #tpu.memory_space<hbm>>
      %dma_start3A_47 = arith.constant 2048 : i32
      %dma_start3A_48 = tpu.memref_slice %arg8[%dma_start3A_47] : memref<3072xi32, #tpu.memory_space<vmem>> -> memref<1024xi32, #tpu.memory_space<vmem>>
      %dma_start3A_49 = tpu.memref_slice %arg3[%add3A_21] : memref<49152xi32, #tpu.memory_space<hbm>> -> memref<1024xi32, #tpu.memory_space<hbm>>
      tpu.enqueue_dma source(%dma_start3A_49 : memref<1024xi32, #tpu.memory_space<hbm>>) target(%dma_start3A_48 : memref<1024xi32, #tpu.memory_space<vmem>>) target_semaphore(%run_scoped3A : memref<!tpu.dma_semaphore, #tpu.memory_space<semaphore_mem>>)
      %dma_wait3A_50 = arith.constant 2048 : i32
      %dma_wait3A_51 = tpu.memref_slice %arg8[%dma_wait3A_50] : memref<3072xi32, #tpu.memory_space<vmem>> -> memref<1024xi32, #tpu.memory_space<vmem>>
      %dma_wait3A_52 = tpu.memref_slice %arg3[%add3A_21] : memref<49152xi32, #tpu.memory_space<hbm>> -> memref<1024xi32, #tpu.memory_space<hbm>>
      %dma_wait3A_53 = arith.constant 2048 : i32
      %dma_wait3A_54 = tpu.memref_slice %arg8[%dma_wait3A_53] : memref<3072xi32, #tpu.memory_space<vmem>> -> memref<1024xi32, #tpu.memory_space<vmem>>
      %dma_wait3A_55 = tpu.memref_slice %arg3[%add3A_21] : memref<49152xi32, #tpu.memory_space<hbm>> -> memref<1024xi32, #tpu.memory_space<hbm>>
      tpu.wait_dma2 semaphore(%run_scoped3A : memref<!tpu.dma_semaphore, #tpu.memory_space<semaphore_mem>>) src(%dma_wait3A_55 : memref<1024xi32, #tpu.memory_space<hbm>>) dst(%dma_wait3A_54 : memref<1024xi32, #tpu.memory_space<vmem>>)
      tpu.yield
    }) : () -> ()
    %iota3A = tpu.iota {dimensions = array<i32: 0>} : vector<16xi32>
    %broadcast_in_dim3A = arith.constant 0.000000e+00 : f32
    %broadcast_in_dim3A_22 = vector.broadcast %broadcast_in_dim3A : f32 to vector<16xf32>
    %eq3A = arith.constant 0 : i32
    %eq3A_23 = arith.cmpi eq, %and3A_0, %eq3A : i32
    %convert_element_type3A = arith.extui %eq3A_23 : i1 to i32
    %cond3A = arith.constant 0 : i32
    %cond3A_24 = arith.cmpi ne, %convert_element_type3A, %cond3A : i32
    scf.if %cond3A_24 {
      %scan3A_44 = arith.constant 0 : i32
      %scan3A_45 = arith.constant 0 : i32
      %scan3A_46 = arith.constant 64 : i32
      %scan3A_47 = arith.addi %scan3A_45, %scan3A_46 : i32
      %scan3A_48 = arith.constant 2 : i32
      scf.for %scan3A_50 = %scan3A_45 to %scan3A_47 step %scan3A_48  : i32 {
        %mul3A_51 = arith.constant 16 : i32
        %mul3A_52 = arith.muli %scan3A_50, %mul3A_51 : i32
        %add3A_53 = arith.constant 0 : i32
        %add3A_54 = arith.addi %add3A_53, %mul3A_52 : i32
        %get3A = arith.index_cast %add3A_54 : i32 to index
        %get3A_55 = tpu.vector_load %arg7[%get3A] {strides = array<i32>} : memref<3072xi32, #tpu.memory_space<vmem>>, vector<16xi32>,
        %add3A_56 = arith.constant 0 : i32
        %add3A_57 = arith.addi %add3A_56, %mul3A_52 : i32
        %get3A_58 = arith.index_cast %add3A_57 : i32 to index
        %get3A_59 = tpu.vector_load %arg8[%get3A_58] {strides = array<i32>} : memref<3072xi32, #tpu.memory_space<vmem>>, vector<16xi32>,
        %gather3A = tpu.vector_load_idx %arg10[%get3A_55] : memref<12288xf32, #tpu.memory_space<vmem>>[vector<16xi32>], vector<16xf32>,
        %eq3A_60 = arith.cmpi eq, %get3A_55, %get3A_59 : vector<16xi32>
        %mul3A_61 = arith.mulf %gather3A, %gather3A : vector<16xf32>
        %select_n3A = arith.select %eq3A_60, %mul3A_61, %broadcast_in_dim3A_22 : vector<16xi1>, vector<16xf32>
        %add3A_62 = arith.addf %broadcast_in_dim3A_22, %select_n3A : vector<16xf32>
        %add3A_63 = arith.constant 1024 : i32
        %add3A_64 = arith.addi %add3A_63, %mul3A_52 : i32
        %get3A_65 = arith.index_cast %add3A_64 : i32 to index
        %get3A_66 = tpu.vector_load %arg7[%get3A_65] {strides = array<i32>} : memref<3072xi32, #tpu.memory_space<vmem>>, vector<16xi32>,
        %add3A_67 = arith.constant 1024 : i32
        %add3A_68 = arith.addi %add3A_67, %mul3A_52 : i32
        %get3A_69 = arith.index_cast %add3A_68 : i32 to index
        %get3A_70 = tpu.vector_load %arg8[%get3A_69] {strides = array<i32>} : memref<3072xi32, #tpu.memory_space<vmem>>, vector<16xi32>,
        %gather3A_71 = tpu.vector_load_idx %arg10[%get3A_66] : memref<12288xf32, #tpu.memory_space<vmem>>[vector<16xi32>], vector<16xf32>,
        %eq3A_72 = arith.cmpi eq, %get3A_66, %get3A_70 : vector<16xi32>
        %mul3A_73 = arith.mulf %gather3A_71, %gather3A_71 : vector<16xf32>
        %select_n3A_74 = arith.select %eq3A_72, %mul3A_73, %broadcast_in_dim3A_22 : vector<16xi1>, vector<16xf32>
        %add3A_75 = arith.addf %add3A_62, %select_n3A_74 : vector<16xf32>
        %add3A_76 = arith.constant 2048 : i32
        %add3A_77 = arith.addi %add3A_76, %mul3A_52 : i32
        %get3A_78 = arith.index_cast %add3A_77 : i32 to index
        %get3A_79 = tpu.vector_load %arg7[%get3A_78] {strides = array<i32>} : memref<3072xi32, #tpu.memory_space<vmem>>, vector<16xi32>,
        %add3A_80 = arith.constant 2048 : i32
        %add3A_81 = arith.addi %add3A_80, %mul3A_52 : i32
        %get3A_82 = arith.index_cast %add3A_81 : i32 to index
        %get3A_83 = tpu.vector_load %arg8[%get3A_82] {strides = array<i32>} : memref<3072xi32, #tpu.memory_space<vmem>>, vector<16xi32>,
        %gather3A_84 = tpu.vector_load_idx %arg10[%get3A_79] : memref<12288xf32, #tpu.memory_space<vmem>>[vector<16xi32>], vector<16xf32>,
        %eq3A_85 = arith.cmpi eq, %get3A_79, %get3A_83 : vector<16xi32>
        %mul3A_86 = arith.mulf %gather3A_84, %gather3A_84 : vector<16xf32>
        %select_n3A_87 = arith.select %eq3A_85, %mul3A_86, %broadcast_in_dim3A_22 : vector<16xi1>, vector<16xf32>
        %add3A_88 = arith.addf %add3A_75, %select_n3A_87 : vector<16xf32>
        %swap3A = arith.index_cast %mul3A_52 : i32 to index
        %swap3A_89 = tpu.vector_load %arg11[%swap3A] {strides = array<i32>} : memref<1024xf32, #tpu.memory_space<vmem>>, vector<16xf32>,
        tpu.vector_store %arg11[%swap3A], %add3A_88 {strides = array<i32>} : memref<1024xf32, #tpu.memory_space<vmem>>, vector<16xf32>,
        %scan3A_90 = arith.constant 1 : i32
        %scan3A_91 = arith.addi %scan3A_50, %scan3A_90 : i32
        %mul3A_92 = arith.constant 16 : i32
        %mul3A_93 = arith.muli %scan3A_91, %mul3A_92 : i32
        %add3A_94 = arith.constant 0 : i32
        %add3A_95 = arith.addi %add3A_94, %mul3A_93 : i32
        %get3A_96 = arith.index_cast %add3A_95 : i32 to index
        %get3A_97 = tpu.vector_load %arg7[%get3A_96] {strides = array<i32>} : memref<3072xi32, #tpu.memory_space<vmem>>, vector<16xi32>,
        %add3A_98 = arith.constant 0 : i32
        %add3A_99 = arith.addi %add3A_98, %mul3A_93 : i32
        %get3A_100 = arith.index_cast %add3A_99 : i32 to index
        %get3A_101 = tpu.vector_load %arg8[%get3A_100] {strides = array<i32>} : memref<3072xi32, #tpu.memory_space<vmem>>, vector<16xi32>,
        %gather3A_102 = tpu.vector_load_idx %arg10[%get3A_97] : memref<12288xf32, #tpu.memory_space<vmem>>[vector<16xi32>], vector<16xf32>,
        %eq3A_103 = arith.cmpi eq, %get3A_97, %get3A_101 : vector<16xi32>
        %mul3A_104 = arith.mulf %gather3A_102, %gather3A_102 : vector<16xf32>
        %select_n3A_105 = arith.select %eq3A_103, %mul3A_104, %broadcast_in_dim3A_22 : vector<16xi1>, vector<16xf32>
        %add3A_106 = arith.addf %broadcast_in_dim3A_22, %select_n3A_105 : vector<16xf32>
        %add3A_107 = arith.constant 1024 : i32
        %add3A_108 = arith.addi %add3A_107, %mul3A_93 : i32
        %get3A_109 = arith.index_cast %add3A_108 : i32 to index
        %get3A_110 = tpu.vector_load %arg7[%get3A_109] {strides = array<i32>} : memref<3072xi32, #tpu.memory_space<vmem>>, vector<16xi32>,
        %add3A_111 = arith.constant 1024 : i32
        %add3A_112 = arith.addi %add3A_111, %mul3A_93 : i32
        %get3A_113 = arith.index_cast %add3A_112 : i32 to index
        %get3A_114 = tpu.vector_load %arg8[%get3A_113] {strides = array<i32>} : memref<3072xi32, #tpu.memory_space<vmem>>, vector<16xi32>,
        %gather3A_115 = tpu.vector_load_idx %arg10[%get3A_110] : memref<12288xf32, #tpu.memory_space<vmem>>[vector<16xi32>], vector<16xf32>,
        %eq3A_116 = arith.cmpi eq, %get3A_110, %get3A_114 : vector<16xi32>
        %mul3A_117 = arith.mulf %gather3A_115, %gather3A_115 : vector<16xf32>
        %select_n3A_118 = arith.select %eq3A_116, %mul3A_117, %broadcast_in_dim3A_22 : vector<16xi1>, vector<16xf32>
        %add3A_119 = arith.addf %add3A_106, %select_n3A_118 : vector<16xf32>
        %add3A_120 = arith.constant 2048 : i32
        %add3A_121 = arith.addi %add3A_120, %mul3A_93 : i32
        %get3A_122 = arith.index_cast %add3A_121 : i32 to index
        %get3A_123 = tpu.vector_load %arg7[%get3A_122] {strides = array<i32>} : memref<3072xi32, #tpu.memory_space<vmem>>, vector<16xi32>,
        %add3A_124 = arith.constant 2048 : i32
        %add3A_125 = arith.addi %add3A_124, %mul3A_93 : i32
        %get3A_126 = arith.index_cast %add3A_125 : i32 to index
        %get3A_127 = tpu.vector_load %arg8[%get3A_126] {strides = array<i32>} : memref<3072xi32, #tpu.memory_space<vmem>>, vector<16xi32>,
        %gather3A_128 = tpu.vector_load_idx %arg10[%get3A_123] : memref<12288xf32, #tpu.memory_space<vmem>>[vector<16xi32>], vector<16xf32>,
        %eq3A_129 = arith.cmpi eq, %get3A_123, %get3A_127 : vector<16xi32>
        %mul3A_130 = arith.mulf %gather3A_128, %gather3A_128 : vector<16xf32>
        %select_n3A_131 = arith.select %eq3A_129, %mul3A_130, %broadcast_in_dim3A_22 : vector<16xi1>, vector<16xf32>
        %add3A_132 = arith.addf %add3A_119, %select_n3A_131 : vector<16xf32>
        %swap3A_133 = arith.index_cast %mul3A_93 : i32 to index
        %swap3A_134 = tpu.vector_load %arg11[%swap3A_133] {strides = array<i32>} : memref<1024xf32, #tpu.memory_space<vmem>>, vector<16xf32>,
        tpu.vector_store %arg11[%swap3A_133], %add3A_132 {strides = array<i32>} : memref<1024xf32, #tpu.memory_space<vmem>>, vector<16xf32>,
      }
      %scan3A_49 = arith.constant 64 : i32
    } else {
    }
    %ne3A = arith.constant 0 : i32
    %ne3A_25 = arith.cmpi ne, %and3A_0, %ne3A : i32
    %convert_element_type3A_26 = arith.extui %ne3A_25 : i1 to i32
    %cond3A_27 = arith.constant 0 : i32
    %cond3A_28 = arith.cmpi ne, %convert_element_type3A_26, %cond3A_27 : i32
    scf.if %cond3A_28 {
      %scan3A_44 = arith.constant 0 : i32
      %scan3A_45 = arith.constant 0 : i32
      %scan3A_46 = arith.constant 64 : i32
      %scan3A_47 = arith.addi %scan3A_45, %scan3A_46 : i32
      %scan3A_48 = arith.constant 2 : i32
      scf.for %scan3A_50 = %scan3A_45 to %scan3A_47 step %scan3A_48  : i32 {
        %mul3A_51 = arith.constant 16 : i32
        %mul3A_52 = arith.muli %scan3A_50, %mul3A_51 : i32
        %swap3A = arith.index_cast %mul3A_52 : i32 to index
        %swap3A_53 = tpu.vector_load %arg11[%swap3A] {strides = array<i32>} : memref<1024xf32, #tpu.memory_space<vmem>>, vector<16xf32>,
        tpu.vector_store %arg11[%swap3A], %broadcast_in_dim3A_22 {strides = array<i32>} : memref<1024xf32, #tpu.memory_space<vmem>>, vector<16xf32>,
        %scan3A_54 = arith.constant 1 : i32
        %scan3A_55 = arith.addi %scan3A_50, %scan3A_54 : i32
        %mul3A_56 = arith.constant 16 : i32
        %mul3A_57 = arith.muli %scan3A_55, %mul3A_56 : i32
        %swap3A_58 = arith.index_cast %mul3A_57 : i32 to index
        %swap3A_59 = tpu.vector_load %arg11[%swap3A_58] {strides = array<i32>} : memref<1024xf32, #tpu.memory_space<vmem>>, vector<16xf32>,
        tpu.vector_store %arg11[%swap3A_58], %broadcast_in_dim3A_22 {strides = array<i32>} : memref<1024xf32, #tpu.memory_space<vmem>>, vector<16xf32>,
      }
      %scan3A_49 = arith.constant 64 : i32
    } else {
    }
    %dma_wait3A = arith.constant 0 : i32
    %dma_wait3A_29 = tpu.memref_slice %arg4[%mul3A_6, %dma_wait3A] : memref<16x12288xf32, #tpu.memory_space<hbm>> -> memref<8x12288xf32, #tpu.memory_space<hbm>>
    %dma_wait3A_30 = arith.constant 0 : i32
    %dma_wait3A_31 = tpu.memref_slice %arg4[%mul3A_6, %dma_wait3A_30] : memref<16x12288xf32, #tpu.memory_space<hbm>> -> memref<8x12288xf32, #tpu.memory_space<hbm>>
    tpu.wait_dma2 semaphore(%arg14 : memref<!tpu.dma_semaphore, #tpu.memory_space<semaphore_mem>>) src(%dma_wait3A_31 : memref<8x12288xf32, #tpu.memory_space<hbm>>) dst(%arg9 : memref<8x12288xf32, #tpu.memory_space<vmem>>)
    %scan3A = arith.constant 0 : i32
    %scan3A_32 = arith.constant 0 : i32
    %scan3A_33 = arith.constant 64 : i32
    %scan3A_34 = arith.addi %scan3A_32, %scan3A_33 : i32
    %scan3A_35 = arith.constant 2 : i32
    scf.for %scan3A_44 = %scan3A_32 to %scan3A_34 step %scan3A_35  : i32 {
      %mul3A_45 = arith.constant 16 : i32
      %mul3A_46 = arith.muli %scan3A_44, %mul3A_45 : i32
      %get3A = arith.index_cast %mul3A_46 : i32 to index
      %get3A_47 = tpu.vector_load %arg11[%get3A] {strides = array<i32>} : memref<1024xf32, #tpu.memory_space<vmem>>, vector<16xf32>,
      %add3A_48 = arith.constant 0 : i32
      %add3A_49 = arith.addi %add3A_48, %mul3A_46 : i32
      %get3A_50 = arith.index_cast %add3A_49 : i32 to index
      %get3A_51 = tpu.vector_load %arg7[%get3A_50] {strides = array<i32>} : memref<3072xi32, #tpu.memory_space<vmem>>, vector<16xi32>,
      %add3A_52 = arith.constant 0 : i32
      %add3A_53 = arith.addi %add3A_52, %mul3A_46 : i32
      %get3A_54 = arith.index_cast %add3A_53 : i32 to index
      %get3A_55 = tpu.vector_load %arg8[%get3A_54] {strides = array<i32>} : memref<3072xi32, #tpu.memory_space<vmem>>, vector<16xi32>,
      %broadcast_in_dim3A_56 = arith.constant 0 : i32
      %broadcast_in_dim3A_57 = vector.broadcast %broadcast_in_dim3A_56 : i32 to vector<16xi32>
      %gather3A = tpu.vector_load_idx %arg9[%broadcast_in_dim3A_57, %get3A_51] : memref<8x12288xf32, #tpu.memory_space<vmem>>[vector<16xi32>, vector<16xi32>], vector<16xf32>,
      %gather3A_58 = tpu.vector_load_idx %arg9[%broadcast_in_dim3A_57, %get3A_55] : memref<8x12288xf32, #tpu.memory_space<vmem>>[vector<16xi32>, vector<16xi32>], vector<16xf32>,
      %mul3A_59 = arith.mulf %gather3A, %gather3A_58 : vector<16xf32>
      %mul3A_60 = arith.mulf %mul3A_59, %mul3A_59 : vector<16xf32>
      %add3A_61 = arith.addf %get3A_47, %mul3A_60 : vector<16xf32>
      %broadcast_in_dim3A_62 = arith.constant 1 : i32
      %broadcast_in_dim3A_63 = vector.broadcast %broadcast_in_dim3A_62 : i32 to vector<16xi32>
      %gather3A_64 = tpu.vector_load_idx %arg9[%broadcast_in_dim3A_63, %get3A_51] : memref<8x12288xf32, #tpu.memory_space<vmem>>[vector<16xi32>, vector<16xi32>], vector<16xf32>,
      %gather3A_65 = tpu.vector_load_idx %arg9[%broadcast_in_dim3A_63, %get3A_55] : memref<8x12288xf32, #tpu.memory_space<vmem>>[vector<16xi32>, vector<16xi32>], vector<16xf32>,
      %mul3A_66 = arith.mulf %gather3A_64, %gather3A_65 : vector<16xf32>
      %mul3A_67 = arith.mulf %mul3A_66, %mul3A_66 : vector<16xf32>
      %add3A_68 = arith.addf %broadcast_in_dim3A_22, %mul3A_67 : vector<16xf32>
      %broadcast_in_dim3A_69 = arith.constant 2 : i32
      %broadcast_in_dim3A_70 = vector.broadcast %broadcast_in_dim3A_69 : i32 to vector<16xi32>
      %gather3A_71 = tpu.vector_load_idx %arg9[%broadcast_in_dim3A_70, %get3A_51] : memref<8x12288xf32, #tpu.memory_space<vmem>>[vector<16xi32>, vector<16xi32>], vector<16xf32>,
      %gather3A_72 = tpu.vector_load_idx %arg9[%broadcast_in_dim3A_70, %get3A_55] : memref<8x12288xf32, #tpu.memory_space<vmem>>[vector<16xi32>, vector<16xi32>], vector<16xf32>,
      %mul3A_73 = arith.mulf %gather3A_71, %gather3A_72 : vector<16xf32>
      %mul3A_74 = arith.mulf %mul3A_73, %mul3A_73 : vector<16xf32>
      %add3A_75 = arith.addf %broadcast_in_dim3A_22, %mul3A_74 : vector<16xf32>
      %broadcast_in_dim3A_76 = arith.constant 3 : i32
      %broadcast_in_dim3A_77 = vector.broadcast %broadcast_in_dim3A_76 : i32 to vector<16xi32>
      %gather3A_78 = tpu.vector_load_idx %arg9[%broadcast_in_dim3A_77, %get3A_51] : memref<8x12288xf32, #tpu.memory_space<vmem>>[vector<16xi32>, vector<16xi32>], vector<16xf32>,
      %gather3A_79 = tpu.vector_load_idx %arg9[%broadcast_in_dim3A_77, %get3A_55] : memref<8x12288xf32, #tpu.memory_space<vmem>>[vector<16xi32>, vector<16xi32>], vector<16xf32>,
      %mul3A_80 = arith.mulf %gather3A_78, %gather3A_79 : vector<16xf32>
      %mul3A_81 = arith.mulf %mul3A_80, %mul3A_80 : vector<16xf32>
      %add3A_82 = arith.addf %broadcast_in_dim3A_22, %mul3A_81 : vector<16xf32>
      %broadcast_in_dim3A_83 = arith.constant 4 : i32
      %broadcast_in_dim3A_84 = vector.broadcast %broadcast_in_dim3A_83 : i32 to vector<16xi32>
      %gather3A_85 = tpu.vector_load_idx %arg9[%broadcast_in_dim3A_84, %get3A_51] : memref<8x12288xf32, #tpu.memory_space<vmem>>[vector<16xi32>, vector<16xi32>], vector<16xf32>,
      %gather3A_86 = tpu.vector_load_idx %arg9[%broadcast_in_dim3A_84, %get3A_55] : memref<8x12288xf32, #tpu.memory_space<vmem>>[vector<16xi32>, vector<16xi32>], vector<16xf32>,
      %mul3A_87 = arith.mulf %gather3A_85, %gather3A_86 : vector<16xf32>
      %mul3A_88 = arith.mulf %mul3A_87, %mul3A_87 : vector<16xf32>
      %add3A_89 = arith.addf %add3A_61, %mul3A_88 : vector<16xf32>
      %broadcast_in_dim3A_90 = arith.constant 5 : i32
      %broadcast_in_dim3A_91 = vector.broadcast %broadcast_in_dim3A_90 : i32 to vector<16xi32>
      %gather3A_92 = tpu.vector_load_idx %arg9[%broadcast_in_dim3A_91, %get3A_51] : memref<8x12288xf32, #tpu.memory_space<vmem>>[vector<16xi32>, vector<16xi32>], vector<16xf32>,
      %gather3A_93 = tpu.vector_load_idx %arg9[%broadcast_in_dim3A_91, %get3A_55] : memref<8x12288xf32, #tpu.memory_space<vmem>>[vector<16xi32>, vector<16xi32>], vector<16xf32>,
      %mul3A_94 = arith.mulf %gather3A_92, %gather3A_93 : vector<16xf32>
      %mul3A_95 = arith.mulf %mul3A_94, %mul3A_94 : vector<16xf32>
      %add3A_96 = arith.addf %add3A_68, %mul3A_95 : vector<16xf32>
      %broadcast_in_dim3A_97 = arith.constant 6 : i32
      %broadcast_in_dim3A_98 = vector.broadcast %broadcast_in_dim3A_97 : i32 to vector<16xi32>
      %gather3A_99 = tpu.vector_load_idx %arg9[%broadcast_in_dim3A_98, %get3A_51] : memref<8x12288xf32, #tpu.memory_space<vmem>>[vector<16xi32>, vector<16xi32>], vector<16xf32>,
      %gather3A_100 = tpu.vector_load_idx %arg9[%broadcast_in_dim3A_98, %get3A_55] : memref<8x12288xf32, #tpu.memory_space<vmem>>[vector<16xi32>, vector<16xi32>], vector<16xf32>,
      %mul3A_101 = arith.mulf %gather3A_99, %gather3A_100 : vector<16xf32>
      %mul3A_102 = arith.mulf %mul3A_101, %mul3A_101 : vector<16xf32>
      %add3A_103 = arith.addf %add3A_75, %mul3A_102 : vector<16xf32>
      %broadcast_in_dim3A_104 = arith.constant 7 : i32
      %broadcast_in_dim3A_105 = vector.broadcast %broadcast_in_dim3A_104 : i32 to vector<16xi32>
      %gather3A_106 = tpu.vector_load_idx %arg9[%broadcast_in_dim3A_105, %get3A_51] : memref<8x12288xf32, #tpu.memory_space<vmem>>[vector<16xi32>, vector<16xi32>], vector<16xf32>,
      %gather3A_107 = tpu.vector_load_idx %arg9[%broadcast_in_dim3A_105, %get3A_55] : memref<8x12288xf32, #tpu.memory_space<vmem>>[vector<16xi32>, vector<16xi32>], vector<16xf32>,
      %mul3A_108 = arith.mulf %gather3A_106, %gather3A_107 : vector<16xf32>
      %mul3A_109 = arith.mulf %mul3A_108, %mul3A_108 : vector<16xf32>
      %add3A_110 = arith.addf %add3A_82, %mul3A_109 : vector<16xf32>
      %add3A_111 = arith.constant 1024 : i32
      %add3A_112 = arith.addi %add3A_111, %mul3A_46 : i32
      %get3A_113 = arith.index_cast %add3A_112 : i32 to index
      %get3A_114 = tpu.vector_load %arg7[%get3A_113] {strides = array<i32>} : memref<3072xi32, #tpu.memory_space<vmem>>, vector<16xi32>,
      %add3A_115 = arith.constant 1024 : i32
      %add3A_116 = arith.addi %add3A_115, %mul3A_46 : i32
      %get3A_117 = arith.index_cast %add3A_116 : i32 to index
      %get3A_118 = tpu.vector_load %arg8[%get3A_117] {strides = array<i32>} : memref<3072xi32, #tpu.memory_space<vmem>>, vector<16xi32>,
      %broadcast_in_dim3A_119 = arith.constant 0 : i32
      %broadcast_in_dim3A_120 = vector.broadcast %broadcast_in_dim3A_119 : i32 to vector<16xi32>
      %gather3A_121 = tpu.vector_load_idx %arg9[%broadcast_in_dim3A_120, %get3A_114] : memref<8x12288xf32, #tpu.memory_space<vmem>>[vector<16xi32>, vector<16xi32>], vector<16xf32>,
      %gather3A_122 = tpu.vector_load_idx %arg9[%broadcast_in_dim3A_120, %get3A_118] : memref<8x12288xf32, #tpu.memory_space<vmem>>[vector<16xi32>, vector<16xi32>], vector<16xf32>,
      %mul3A_123 = arith.mulf %gather3A_121, %gather3A_122 : vector<16xf32>
      %mul3A_124 = arith.mulf %mul3A_123, %mul3A_123 : vector<16xf32>
      %add3A_125 = arith.addf %add3A_89, %mul3A_124 : vector<16xf32>
      %broadcast_in_dim3A_126 = arith.constant 1 : i32
      %broadcast_in_dim3A_127 = vector.broadcast %broadcast_in_dim3A_126 : i32 to vector<16xi32>
      %gather3A_128 = tpu.vector_load_idx %arg9[%broadcast_in_dim3A_127, %get3A_114] : memref<8x12288xf32, #tpu.memory_space<vmem>>[vector<16xi32>, vector<16xi32>], vector<16xf32>,
      %gather3A_129 = tpu.vector_load_idx %arg9[%broadcast_in_dim3A_127, %get3A_118] : memref<8x12288xf32, #tpu.memory_space<vmem>>[vector<16xi32>, vector<16xi32>], vector<16xf32>,
      %mul3A_130 = arith.mulf %gather3A_128, %gather3A_129 : vector<16xf32>
      %mul3A_131 = arith.mulf %mul3A_130, %mul3A_130 : vector<16xf32>
      %add3A_132 = arith.addf %add3A_96, %mul3A_131 : vector<16xf32>
      %broadcast_in_dim3A_133 = arith.constant 2 : i32
      %broadcast_in_dim3A_134 = vector.broadcast %broadcast_in_dim3A_133 : i32 to vector<16xi32>
      %gather3A_135 = tpu.vector_load_idx %arg9[%broadcast_in_dim3A_134, %get3A_114] : memref<8x12288xf32, #tpu.memory_space<vmem>>[vector<16xi32>, vector<16xi32>], vector<16xf32>,
      %gather3A_136 = tpu.vector_load_idx %arg9[%broadcast_in_dim3A_134, %get3A_118] : memref<8x12288xf32, #tpu.memory_space<vmem>>[vector<16xi32>, vector<16xi32>], vector<16xf32>,
      %mul3A_137 = arith.mulf %gather3A_135, %gather3A_136 : vector<16xf32>
      %mul3A_138 = arith.mulf %mul3A_137, %mul3A_137 : vector<16xf32>
      %add3A_139 = arith.addf %add3A_103, %mul3A_138 : vector<16xf32>
      %broadcast_in_dim3A_140 = arith.constant 3 : i32
      %broadcast_in_dim3A_141 = vector.broadcast %broadcast_in_dim3A_140 : i32 to vector<16xi32>
      %gather3A_142 = tpu.vector_load_idx %arg9[%broadcast_in_dim3A_141, %get3A_114] : memref<8x12288xf32, #tpu.memory_space<vmem>>[vector<16xi32>, vector<16xi32>], vector<16xf32>,
      %gather3A_143 = tpu.vector_load_idx %arg9[%broadcast_in_dim3A_141, %get3A_118] : memref<8x12288xf32, #tpu.memory_space<vmem>>[vector<16xi32>, vector<16xi32>], vector<16xf32>,
      %mul3A_144 = arith.mulf %gather3A_142, %gather3A_143 : vector<16xf32>
      %mul3A_145 = arith.mulf %mul3A_144, %mul3A_144 : vector<16xf32>
      %add3A_146 = arith.addf %add3A_110, %mul3A_145 : vector<16xf32>
      %broadcast_in_dim3A_147 = arith.constant 4 : i32
      %broadcast_in_dim3A_148 = vector.broadcast %broadcast_in_dim3A_147 : i32 to vector<16xi32>
      %gather3A_149 = tpu.vector_load_idx %arg9[%broadcast_in_dim3A_148, %get3A_114] : memref<8x12288xf32, #tpu.memory_space<vmem>>[vector<16xi32>, vector<16xi32>], vector<16xf32>,
      %gather3A_150 = tpu.vector_load_idx %arg9[%broadcast_in_dim3A_148, %get3A_118] : memref<8x12288xf32, #tpu.memory_space<vmem>>[vector<16xi32>, vector<16xi32>], vector<16xf32>,
      %mul3A_151 = arith.mulf %gather3A_149, %gather3A_150 : vector<16xf32>
      %mul3A_152 = arith.mulf %mul3A_151, %mul3A_151 : vector<16xf32>
      %add3A_153 = arith.addf %add3A_125, %mul3A_152 : vector<16xf32>
      %broadcast_in_dim3A_154 = arith.constant 5 : i32
      %broadcast_in_dim3A_155 = vector.broadcast %broadcast_in_dim3A_154 : i32 to vector<16xi32>
      %gather3A_156 = tpu.vector_load_idx %arg9[%broadcast_in_dim3A_155, %get3A_114] : memref<8x12288xf32, #tpu.memory_space<vmem>>[vector<16xi32>, vector<16xi32>], vector<16xf32>,
      %gather3A_157 = tpu.vector_load_idx %arg9[%broadcast_in_dim3A_155, %get3A_118] : memref<8x12288xf32, #tpu.memory_space<vmem>>[vector<16xi32>, vector<16xi32>], vector<16xf32>,
      %mul3A_158 = arith.mulf %gather3A_156, %gather3A_157 : vector<16xf32>
      %mul3A_159 = arith.mulf %mul3A_158, %mul3A_158 : vector<16xf32>
      %add3A_160 = arith.addf %add3A_132, %mul3A_159 : vector<16xf32>
      %broadcast_in_dim3A_161 = arith.constant 6 : i32
      %broadcast_in_dim3A_162 = vector.broadcast %broadcast_in_dim3A_161 : i32 to vector<16xi32>
      %gather3A_163 = tpu.vector_load_idx %arg9[%broadcast_in_dim3A_162, %get3A_114] : memref<8x12288xf32, #tpu.memory_space<vmem>>[vector<16xi32>, vector<16xi32>], vector<16xf32>,
      %gather3A_164 = tpu.vector_load_idx %arg9[%broadcast_in_dim3A_162, %get3A_118] : memref<8x12288xf32, #tpu.memory_space<vmem>>[vector<16xi32>, vector<16xi32>], vector<16xf32>,
      %mul3A_165 = arith.mulf %gather3A_163, %gather3A_164 : vector<16xf32>
      %mul3A_166 = arith.mulf %mul3A_165, %mul3A_165 : vector<16xf32>
      %add3A_167 = arith.addf %add3A_139, %mul3A_166 : vector<16xf32>
      %broadcast_in_dim3A_168 = arith.constant 7 : i32
      %broadcast_in_dim3A_169 = vector.broadcast %broadcast_in_dim3A_168 : i32 to vector<16xi32>
      %gather3A_170 = tpu.vector_load_idx %arg9[%broadcast_in_dim3A_169, %get3A_114] : memref<8x12288xf32, #tpu.memory_space<vmem>>[vector<16xi32>, vector<16xi32>], vector<16xf32>,
      %gather3A_171 = tpu.vector_load_idx %arg9[%broadcast_in_dim3A_169, %get3A_118] : memref<8x12288xf32, #tpu.memory_space<vmem>>[vector<16xi32>, vector<16xi32>], vector<16xf32>,
      %mul3A_172 = arith.mulf %gather3A_170, %gather3A_171 : vector<16xf32>
      %mul3A_173 = arith.mulf %mul3A_172, %mul3A_172 : vector<16xf32>
      %add3A_174 = arith.addf %add3A_146, %mul3A_173 : vector<16xf32>
      %add3A_175 = arith.constant 2048 : i32
      %add3A_176 = arith.addi %add3A_175, %mul3A_46 : i32
      %get3A_177 = arith.index_cast %add3A_176 : i32 to index
      %get3A_178 = tpu.vector_load %arg7[%get3A_177] {strides = array<i32>} : memref<3072xi32, #tpu.memory_space<vmem>>, vector<16xi32>,
      %add3A_179 = arith.constant 2048 : i32
      %add3A_180 = arith.addi %add3A_179, %mul3A_46 : i32
      %get3A_181 = arith.index_cast %add3A_180 : i32 to index
      %get3A_182 = tpu.vector_load %arg8[%get3A_181] {strides = array<i32>} : memref<3072xi32, #tpu.memory_space<vmem>>, vector<16xi32>,
      %broadcast_in_dim3A_183 = arith.constant 0 : i32
      %broadcast_in_dim3A_184 = vector.broadcast %broadcast_in_dim3A_183 : i32 to vector<16xi32>
      %gather3A_185 = tpu.vector_load_idx %arg9[%broadcast_in_dim3A_184, %get3A_178] : memref<8x12288xf32, #tpu.memory_space<vmem>>[vector<16xi32>, vector<16xi32>], vector<16xf32>,
      %gather3A_186 = tpu.vector_load_idx %arg9[%broadcast_in_dim3A_184, %get3A_182] : memref<8x12288xf32, #tpu.memory_space<vmem>>[vector<16xi32>, vector<16xi32>], vector<16xf32>,
      %mul3A_187 = arith.mulf %gather3A_185, %gather3A_186 : vector<16xf32>
      %mul3A_188 = arith.mulf %mul3A_187, %mul3A_187 : vector<16xf32>
      %add3A_189 = arith.addf %add3A_153, %mul3A_188 : vector<16xf32>
      %broadcast_in_dim3A_190 = arith.constant 1 : i32
      %broadcast_in_dim3A_191 = vector.broadcast %broadcast_in_dim3A_190 : i32 to vector<16xi32>
      %gather3A_192 = tpu.vector_load_idx %arg9[%broadcast_in_dim3A_191, %get3A_178] : memref<8x12288xf32, #tpu.memory_space<vmem>>[vector<16xi32>, vector<16xi32>], vector<16xf32>,
      %gather3A_193 = tpu.vector_load_idx %arg9[%broadcast_in_dim3A_191, %get3A_182] : memref<8x12288xf32, #tpu.memory_space<vmem>>[vector<16xi32>, vector<16xi32>], vector<16xf32>,
      %mul3A_194 = arith.mulf %gather3A_192, %gather3A_193 : vector<16xf32>
      %mul3A_195 = arith.mulf %mul3A_194, %mul3A_194 : vector<16xf32>
      %add3A_196 = arith.addf %add3A_160, %mul3A_195 : vector<16xf32>
      %broadcast_in_dim3A_197 = arith.constant 2 : i32
      %broadcast_in_dim3A_198 = vector.broadcast %broadcast_in_dim3A_197 : i32 to vector<16xi32>
      %gather3A_199 = tpu.vector_load_idx %arg9[%broadcast_in_dim3A_198, %get3A_178] : memref<8x12288xf32, #tpu.memory_space<vmem>>[vector<16xi32>, vector<16xi32>], vector<16xf32>,
      %gather3A_200 = tpu.vector_load_idx %arg9[%broadcast_in_dim3A_198, %get3A_182] : memref<8x12288xf32, #tpu.memory_space<vmem>>[vector<16xi32>, vector<16xi32>], vector<16xf32>,
      %mul3A_201 = arith.mulf %gather3A_199, %gather3A_200 : vector<16xf32>
      %mul3A_202 = arith.mulf %mul3A_201, %mul3A_201 : vector<16xf32>
      %add3A_203 = arith.addf %add3A_167, %mul3A_202 : vector<16xf32>
      %broadcast_in_dim3A_204 = arith.constant 3 : i32
      %broadcast_in_dim3A_205 = vector.broadcast %broadcast_in_dim3A_204 : i32 to vector<16xi32>
      %gather3A_206 = tpu.vector_load_idx %arg9[%broadcast_in_dim3A_205, %get3A_178] : memref<8x12288xf32, #tpu.memory_space<vmem>>[vector<16xi32>, vector<16xi32>], vector<16xf32>,
      %gather3A_207 = tpu.vector_load_idx %arg9[%broadcast_in_dim3A_205, %get3A_182] : memref<8x12288xf32, #tpu.memory_space<vmem>>[vector<16xi32>, vector<16xi32>], vector<16xf32>,
      %mul3A_208 = arith.mulf %gather3A_206, %gather3A_207 : vector<16xf32>
      %mul3A_209 = arith.mulf %mul3A_208, %mul3A_208 : vector<16xf32>
      %add3A_210 = arith.addf %add3A_174, %mul3A_209 : vector<16xf32>
      %broadcast_in_dim3A_211 = arith.constant 4 : i32
      %broadcast_in_dim3A_212 = vector.broadcast %broadcast_in_dim3A_211 : i32 to vector<16xi32>
      %gather3A_213 = tpu.vector_load_idx %arg9[%broadcast_in_dim3A_212, %get3A_178] : memref<8x12288xf32, #tpu.memory_space<vmem>>[vector<16xi32>, vector<16xi32>], vector<16xf32>,
      %gather3A_214 = tpu.vector_load_idx %arg9[%broadcast_in_dim3A_212, %get3A_182] : memref<8x12288xf32, #tpu.memory_space<vmem>>[vector<16xi32>, vector<16xi32>], vector<16xf32>,
      %mul3A_215 = arith.mulf %gather3A_213, %gather3A_214 : vector<16xf32>
      %mul3A_216 = arith.mulf %mul3A_215, %mul3A_215 : vector<16xf32>
      %add3A_217 = arith.addf %add3A_189, %mul3A_216 : vector<16xf32>
      %broadcast_in_dim3A_218 = arith.constant 5 : i32
      %broadcast_in_dim3A_219 = vector.broadcast %broadcast_in_dim3A_218 : i32 to vector<16xi32>
      %gather3A_220 = tpu.vector_load_idx %arg9[%broadcast_in_dim3A_219, %get3A_178] : memref<8x12288xf32, #tpu.memory_space<vmem>>[vector<16xi32>, vector<16xi32>], vector<16xf32>,
      %gather3A_221 = tpu.vector_load_idx %arg9[%broadcast_in_dim3A_219, %get3A_182] : memref<8x12288xf32, #tpu.memory_space<vmem>>[vector<16xi32>, vector<16xi32>], vector<16xf32>,
      %mul3A_222 = arith.mulf %gather3A_220, %gather3A_221 : vector<16xf32>
      %mul3A_223 = arith.mulf %mul3A_222, %mul3A_222 : vector<16xf32>
      %add3A_224 = arith.addf %add3A_196, %mul3A_223 : vector<16xf32>
      %broadcast_in_dim3A_225 = arith.constant 6 : i32
      %broadcast_in_dim3A_226 = vector.broadcast %broadcast_in_dim3A_225 : i32 to vector<16xi32>
      %gather3A_227 = tpu.vector_load_idx %arg9[%broadcast_in_dim3A_226, %get3A_178] : memref<8x12288xf32, #tpu.memory_space<vmem>>[vector<16xi32>, vector<16xi32>], vector<16xf32>,
      %gather3A_228 = tpu.vector_load_idx %arg9[%broadcast_in_dim3A_226, %get3A_182] : memref<8x12288xf32, #tpu.memory_space<vmem>>[vector<16xi32>, vector<16xi32>], vector<16xf32>,
      %mul3A_229 = arith.mulf %gather3A_227, %gather3A_228 : vector<16xf32>
      %mul3A_230 = arith.mulf %mul3A_229, %mul3A_229 : vector<16xf32>
      %add3A_231 = arith.addf %add3A_203, %mul3A_230 : vector<16xf32>
      %broadcast_in_dim3A_232 = arith.constant 7 : i32
      %broadcast_in_dim3A_233 = vector.broadcast %broadcast_in_dim3A_232 : i32 to vector<16xi32>
      %gather3A_234 = tpu.vector_load_idx %arg9[%broadcast_in_dim3A_233, %get3A_178] : memref<8x12288xf32, #tpu.memory_space<vmem>>[vector<16xi32>, vector<16xi32>], vector<16xf32>,
      %gather3A_235 = tpu.vector_load_idx %arg9[%broadcast_in_dim3A_233, %get3A_182] : memref<8x12288xf32, #tpu.memory_space<vmem>>[vector<16xi32>, vector<16xi32>], vector<16xf32>,
      %mul3A_236 = arith.mulf %gather3A_234, %gather3A_235 : vector<16xf32>
      %mul3A_237 = arith.mulf %mul3A_236, %mul3A_236 : vector<16xf32>
      %add3A_238 = arith.addf %add3A_210, %mul3A_237 : vector<16xf32>
      %add3A_239 = arith.addf %add3A_217, %add3A_224 : vector<16xf32>
      %add3A_240 = arith.addf %add3A_231, %add3A_238 : vector<16xf32>
      %add3A_241 = arith.addf %add3A_239, %add3A_240 : vector<16xf32>
      %swap3A = arith.index_cast %mul3A_46 : i32 to index
      %swap3A_242 = tpu.vector_load %arg11[%swap3A] {strides = array<i32>} : memref<1024xf32, #tpu.memory_space<vmem>>, vector<16xf32>,
      tpu.vector_store %arg11[%swap3A], %add3A_241 {strides = array<i32>} : memref<1024xf32, #tpu.memory_space<vmem>>, vector<16xf32>,
      %scan3A_243 = arith.constant 1 : i32
      %scan3A_244 = arith.addi %scan3A_44, %scan3A_243 : i32
      %mul3A_245 = arith.constant 16 : i32
      %mul3A_246 = arith.muli %scan3A_244, %mul3A_245 : i32
      %get3A_247 = arith.index_cast %mul3A_246 : i32 to index
      %get3A_248 = tpu.vector_load %arg11[%get3A_247] {strides = array<i32>} : memref<1024xf32, #tpu.memory_space<vmem>>, vector<16xf32>,
      %add3A_249 = arith.constant 0 : i32
      %add3A_250 = arith.addi %add3A_249, %mul3A_246 : i32
      %get3A_251 = arith.index_cast %add3A_250 : i32 to index
      %get3A_252 = tpu.vector_load %arg7[%get3A_251] {strides = array<i32>} : memref<3072xi32, #tpu.memory_space<vmem>>, vector<16xi32>,
      %add3A_253 = arith.constant 0 : i32
      %add3A_254 = arith.addi %add3A_253, %mul3A_246 : i32
      %get3A_255 = arith.index_cast %add3A_254 : i32 to index
      %get3A_256 = tpu.vector_load %arg8[%get3A_255] {strides = array<i32>} : memref<3072xi32, #tpu.memory_space<vmem>>, vector<16xi32>,
      %broadcast_in_dim3A_257 = arith.constant 0 : i32
      %broadcast_in_dim3A_258 = vector.broadcast %broadcast_in_dim3A_257 : i32 to vector<16xi32>
      %gather3A_259 = tpu.vector_load_idx %arg9[%broadcast_in_dim3A_258, %get3A_252] : memref<8x12288xf32, #tpu.memory_space<vmem>>[vector<16xi32>, vector<16xi32>], vector<16xf32>,
      %gather3A_260 = tpu.vector_load_idx %arg9[%broadcast_in_dim3A_258, %get3A_256] : memref<8x12288xf32, #tpu.memory_space<vmem>>[vector<16xi32>, vector<16xi32>], vector<16xf32>,
      %mul3A_261 = arith.mulf %gather3A_259, %gather3A_260 : vector<16xf32>
      %mul3A_262 = arith.mulf %mul3A_261, %mul3A_261 : vector<16xf32>
      %add3A_263 = arith.addf %get3A_248, %mul3A_262 : vector<16xf32>
      %broadcast_in_dim3A_264 = arith.constant 1 : i32
      %broadcast_in_dim3A_265 = vector.broadcast %broadcast_in_dim3A_264 : i32 to vector<16xi32>
      %gather3A_266 = tpu.vector_load_idx %arg9[%broadcast_in_dim3A_265, %get3A_252] : memref<8x12288xf32, #tpu.memory_space<vmem>>[vector<16xi32>, vector<16xi32>], vector<16xf32>,
      %gather3A_267 = tpu.vector_load_idx %arg9[%broadcast_in_dim3A_265, %get3A_256] : memref<8x12288xf32, #tpu.memory_space<vmem>>[vector<16xi32>, vector<16xi32>], vector<16xf32>,
      %mul3A_268 = arith.mulf %gather3A_266, %gather3A_267 : vector<16xf32>
      %mul3A_269 = arith.mulf %mul3A_268, %mul3A_268 : vector<16xf32>
      %add3A_270 = arith.addf %broadcast_in_dim3A_22, %mul3A_269 : vector<16xf32>
      %broadcast_in_dim3A_271 = arith.constant 2 : i32
      %broadcast_in_dim3A_272 = vector.broadcast %broadcast_in_dim3A_271 : i32 to vector<16xi32>
      %gather3A_273 = tpu.vector_load_idx %arg9[%broadcast_in_dim3A_272, %get3A_252] : memref<8x12288xf32, #tpu.memory_space<vmem>>[vector<16xi32>, vector<16xi32>], vector<16xf32>,
      %gather3A_274 = tpu.vector_load_idx %arg9[%broadcast_in_dim3A_272, %get3A_256] : memref<8x12288xf32, #tpu.memory_space<vmem>>[vector<16xi32>, vector<16xi32>], vector<16xf32>,
      %mul3A_275 = arith.mulf %gather3A_273, %gather3A_274 : vector<16xf32>
      %mul3A_276 = arith.mulf %mul3A_275, %mul3A_275 : vector<16xf32>
      %add3A_277 = arith.addf %broadcast_in_dim3A_22, %mul3A_276 : vector<16xf32>
      %broadcast_in_dim3A_278 = arith.constant 3 : i32
      %broadcast_in_dim3A_279 = vector.broadcast %broadcast_in_dim3A_278 : i32 to vector<16xi32>
      %gather3A_280 = tpu.vector_load_idx %arg9[%broadcast_in_dim3A_279, %get3A_252] : memref<8x12288xf32, #tpu.memory_space<vmem>>[vector<16xi32>, vector<16xi32>], vector<16xf32>,
      %gather3A_281 = tpu.vector_load_idx %arg9[%broadcast_in_dim3A_279, %get3A_256] : memref<8x12288xf32, #tpu.memory_space<vmem>>[vector<16xi32>, vector<16xi32>], vector<16xf32>,
      %mul3A_282 = arith.mulf %gather3A_280, %gather3A_281 : vector<16xf32>
      %mul3A_283 = arith.mulf %mul3A_282, %mul3A_282 : vector<16xf32>
      %add3A_284 = arith.addf %broadcast_in_dim3A_22, %mul3A_283 : vector<16xf32>
      %broadcast_in_dim3A_285 = arith.constant 4 : i32
      %broadcast_in_dim3A_286 = vector.broadcast %broadcast_in_dim3A_285 : i32 to vector<16xi32>
      %gather3A_287 = tpu.vector_load_idx %arg9[%broadcast_in_dim3A_286, %get3A_252] : memref<8x12288xf32, #tpu.memory_space<vmem>>[vector<16xi32>, vector<16xi32>], vector<16xf32>,
      %gather3A_288 = tpu.vector_load_idx %arg9[%broadcast_in_dim3A_286, %get3A_256] : memref<8x12288xf32, #tpu.memory_space<vmem>>[vector<16xi32>, vector<16xi32>], vector<16xf32>,
      %mul3A_289 = arith.mulf %gather3A_287, %gather3A_288 : vector<16xf32>
      %mul3A_290 = arith.mulf %mul3A_289, %mul3A_289 : vector<16xf32>
      %add3A_291 = arith.addf %add3A_263, %mul3A_290 : vector<16xf32>
      %broadcast_in_dim3A_292 = arith.constant 5 : i32
      %broadcast_in_dim3A_293 = vector.broadcast %broadcast_in_dim3A_292 : i32 to vector<16xi32>
      %gather3A_294 = tpu.vector_load_idx %arg9[%broadcast_in_dim3A_293, %get3A_252] : memref<8x12288xf32, #tpu.memory_space<vmem>>[vector<16xi32>, vector<16xi32>], vector<16xf32>,
      %gather3A_295 = tpu.vector_load_idx %arg9[%broadcast_in_dim3A_293, %get3A_256] : memref<8x12288xf32, #tpu.memory_space<vmem>>[vector<16xi32>, vector<16xi32>], vector<16xf32>,
      %mul3A_296 = arith.mulf %gather3A_294, %gather3A_295 : vector<16xf32>
      %mul3A_297 = arith.mulf %mul3A_296, %mul3A_296 : vector<16xf32>
      %add3A_298 = arith.addf %add3A_270, %mul3A_297 : vector<16xf32>
      %broadcast_in_dim3A_299 = arith.constant 6 : i32
      %broadcast_in_dim3A_300 = vector.broadcast %broadcast_in_dim3A_299 : i32 to vector<16xi32>
      %gather3A_301 = tpu.vector_load_idx %arg9[%broadcast_in_dim3A_300, %get3A_252] : memref<8x12288xf32, #tpu.memory_space<vmem>>[vector<16xi32>, vector<16xi32>], vector<16xf32>,
      %gather3A_302 = tpu.vector_load_idx %arg9[%broadcast_in_dim3A_300, %get3A_256] : memref<8x12288xf32, #tpu.memory_space<vmem>>[vector<16xi32>, vector<16xi32>], vector<16xf32>,
      %mul3A_303 = arith.mulf %gather3A_301, %gather3A_302 : vector<16xf32>
      %mul3A_304 = arith.mulf %mul3A_303, %mul3A_303 : vector<16xf32>
      %add3A_305 = arith.addf %add3A_277, %mul3A_304 : vector<16xf32>
      %broadcast_in_dim3A_306 = arith.constant 7 : i32
      %broadcast_in_dim3A_307 = vector.broadcast %broadcast_in_dim3A_306 : i32 to vector<16xi32>
      %gather3A_308 = tpu.vector_load_idx %arg9[%broadcast_in_dim3A_307, %get3A_252] : memref<8x12288xf32, #tpu.memory_space<vmem>>[vector<16xi32>, vector<16xi32>], vector<16xf32>,
      %gather3A_309 = tpu.vector_load_idx %arg9[%broadcast_in_dim3A_307, %get3A_256] : memref<8x12288xf32, #tpu.memory_space<vmem>>[vector<16xi32>, vector<16xi32>], vector<16xf32>,
      %mul3A_310 = arith.mulf %gather3A_308, %gather3A_309 : vector<16xf32>
      %mul3A_311 = arith.mulf %mul3A_310, %mul3A_310 : vector<16xf32>
      %add3A_312 = arith.addf %add3A_284, %mul3A_311 : vector<16xf32>
      %add3A_313 = arith.constant 1024 : i32
      %add3A_314 = arith.addi %add3A_313, %mul3A_246 : i32
      %get3A_315 = arith.index_cast %add3A_314 : i32 to index
      %get3A_316 = tpu.vector_load %arg7[%get3A_315] {strides = array<i32>} : memref<3072xi32, #tpu.memory_space<vmem>>, vector<16xi32>,
      %add3A_317 = arith.constant 1024 : i32
      %add3A_318 = arith.addi %add3A_317, %mul3A_246 : i32
      %get3A_319 = arith.index_cast %add3A_318 : i32 to index
      %get3A_320 = tpu.vector_load %arg8[%get3A_319] {strides = array<i32>} : memref<3072xi32, #tpu.memory_space<vmem>>, vector<16xi32>,
      %broadcast_in_dim3A_321 = arith.constant 0 : i32
      %broadcast_in_dim3A_322 = vector.broadcast %broadcast_in_dim3A_321 : i32 to vector<16xi32>
      %gather3A_323 = tpu.vector_load_idx %arg9[%broadcast_in_dim3A_322, %get3A_316] : memref<8x12288xf32, #tpu.memory_space<vmem>>[vector<16xi32>, vector<16xi32>], vector<16xf32>,
      %gather3A_324 = tpu.vector_load_idx %arg9[%broadcast_in_dim3A_322, %get3A_320] : memref<8x12288xf32, #tpu.memory_space<vmem>>[vector<16xi32>, vector<16xi32>], vector<16xf32>,
      %mul3A_325 = arith.mulf %gather3A_323, %gather3A_324 : vector<16xf32>
      %mul3A_326 = arith.mulf %mul3A_325, %mul3A_325 : vector<16xf32>
      %add3A_327 = arith.addf %add3A_291, %mul3A_326 : vector<16xf32>
      %broadcast_in_dim3A_328 = arith.constant 1 : i32
      %broadcast_in_dim3A_329 = vector.broadcast %broadcast_in_dim3A_328 : i32 to vector<16xi32>
      %gather3A_330 = tpu.vector_load_idx %arg9[%broadcast_in_dim3A_329, %get3A_316] : memref<8x12288xf32, #tpu.memory_space<vmem>>[vector<16xi32>, vector<16xi32>], vector<16xf32>,
      %gather3A_331 = tpu.vector_load_idx %arg9[%broadcast_in_dim3A_329, %get3A_320] : memref<8x12288xf32, #tpu.memory_space<vmem>>[vector<16xi32>, vector<16xi32>], vector<16xf32>,
      %mul3A_332 = arith.mulf %gather3A_330, %gather3A_331 : vector<16xf32>
      %mul3A_333 = arith.mulf %mul3A_332, %mul3A_332 : vector<16xf32>
      %add3A_334 = arith.addf %add3A_298, %mul3A_333 : vector<16xf32>
      %broadcast_in_dim3A_335 = arith.constant 2 : i32
      %broadcast_in_dim3A_336 = vector.broadcast %broadcast_in_dim3A_335 : i32 to vector<16xi32>
      %gather3A_337 = tpu.vector_load_idx %arg9[%broadcast_in_dim3A_336, %get3A_316] : memref<8x12288xf32, #tpu.memory_space<vmem>>[vector<16xi32>, vector<16xi32>], vector<16xf32>,
      %gather3A_338 = tpu.vector_load_idx %arg9[%broadcast_in_dim3A_336, %get3A_320] : memref<8x12288xf32, #tpu.memory_space<vmem>>[vector<16xi32>, vector<16xi32>], vector<16xf32>,
      %mul3A_339 = arith.mulf %gather3A_337, %gather3A_338 : vector<16xf32>
      %mul3A_340 = arith.mulf %mul3A_339, %mul3A_339 : vector<16xf32>
      %add3A_341 = arith.addf %add3A_305, %mul3A_340 : vector<16xf32>
      %broadcast_in_dim3A_342 = arith.constant 3 : i32
      %broadcast_in_dim3A_343 = vector.broadcast %broadcast_in_dim3A_342 : i32 to vector<16xi32>
      %gather3A_344 = tpu.vector_load_idx %arg9[%broadcast_in_dim3A_343, %get3A_316] : memref<8x12288xf32, #tpu.memory_space<vmem>>[vector<16xi32>, vector<16xi32>], vector<16xf32>,
      %gather3A_345 = tpu.vector_load_idx %arg9[%broadcast_in_dim3A_343, %get3A_320] : memref<8x12288xf32, #tpu.memory_space<vmem>>[vector<16xi32>, vector<16xi32>], vector<16xf32>,
      %mul3A_346 = arith.mulf %gather3A_344, %gather3A_345 : vector<16xf32>
      %mul3A_347 = arith.mulf %mul3A_346, %mul3A_346 : vector<16xf32>
      %add3A_348 = arith.addf %add3A_312, %mul3A_347 : vector<16xf32>
      %broadcast_in_dim3A_349 = arith.constant 4 : i32
      %broadcast_in_dim3A_350 = vector.broadcast %broadcast_in_dim3A_349 : i32 to vector<16xi32>
      %gather3A_351 = tpu.vector_load_idx %arg9[%broadcast_in_dim3A_350, %get3A_316] : memref<8x12288xf32, #tpu.memory_space<vmem>>[vector<16xi32>, vector<16xi32>], vector<16xf32>,
      %gather3A_352 = tpu.vector_load_idx %arg9[%broadcast_in_dim3A_350, %get3A_320] : memref<8x12288xf32, #tpu.memory_space<vmem>>[vector<16xi32>, vector<16xi32>], vector<16xf32>,
      %mul3A_353 = arith.mulf %gather3A_351, %gather3A_352 : vector<16xf32>
      %mul3A_354 = arith.mulf %mul3A_353, %mul3A_353 : vector<16xf32>
      %add3A_355 = arith.addf %add3A_327, %mul3A_354 : vector<16xf32>
      %broadcast_in_dim3A_356 = arith.constant 5 : i32
      %broadcast_in_dim3A_357 = vector.broadcast %broadcast_in_dim3A_356 : i32 to vector<16xi32>
      %gather3A_358 = tpu.vector_load_idx %arg9[%broadcast_in_dim3A_357, %get3A_316] : memref<8x12288xf32, #tpu.memory_space<vmem>>[vector<16xi32>, vector<16xi32>], vector<16xf32>,
      %gather3A_359 = tpu.vector_load_idx %arg9[%broadcast_in_dim3A_357, %get3A_320] : memref<8x12288xf32, #tpu.memory_space<vmem>>[vector<16xi32>, vector<16xi32>], vector<16xf32>,
      %mul3A_360 = arith.mulf %gather3A_358, %gather3A_359 : vector<16xf32>
      %mul3A_361 = arith.mulf %mul3A_360, %mul3A_360 : vector<16xf32>
      %add3A_362 = arith.addf %add3A_334, %mul3A_361 : vector<16xf32>
      %broadcast_in_dim3A_363 = arith.constant 6 : i32
      %broadcast_in_dim3A_364 = vector.broadcast %broadcast_in_dim3A_363 : i32 to vector<16xi32>
      %gather3A_365 = tpu.vector_load_idx %arg9[%broadcast_in_dim3A_364, %get3A_316] : memref<8x12288xf32, #tpu.memory_space<vmem>>[vector<16xi32>, vector<16xi32>], vector<16xf32>,
      %gather3A_366 = tpu.vector_load_idx %arg9[%broadcast_in_dim3A_364, %get3A_320] : memref<8x12288xf32, #tpu.memory_space<vmem>>[vector<16xi32>, vector<16xi32>], vector<16xf32>,
      %mul3A_367 = arith.mulf %gather3A_365, %gather3A_366 : vector<16xf32>
      %mul3A_368 = arith.mulf %mul3A_367, %mul3A_367 : vector<16xf32>
      %add3A_369 = arith.addf %add3A_341, %mul3A_368 : vector<16xf32>
      %broadcast_in_dim3A_370 = arith.constant 7 : i32
      %broadcast_in_dim3A_371 = vector.broadcast %broadcast_in_dim3A_370 : i32 to vector<16xi32>
      %gather3A_372 = tpu.vector_load_idx %arg9[%broadcast_in_dim3A_371, %get3A_316] : memref<8x12288xf32, #tpu.memory_space<vmem>>[vector<16xi32>, vector<16xi32>], vector<16xf32>,
      %gather3A_373 = tpu.vector_load_idx %arg9[%broadcast_in_dim3A_371, %get3A_320] : memref<8x12288xf32, #tpu.memory_space<vmem>>[vector<16xi32>, vector<16xi32>], vector<16xf32>,
      %mul3A_374 = arith.mulf %gather3A_372, %gather3A_373 : vector<16xf32>
      %mul3A_375 = arith.mulf %mul3A_374, %mul3A_374 : vector<16xf32>
      %add3A_376 = arith.addf %add3A_348, %mul3A_375 : vector<16xf32>
      %add3A_377 = arith.constant 2048 : i32
      %add3A_378 = arith.addi %add3A_377, %mul3A_246 : i32
      %get3A_379 = arith.index_cast %add3A_378 : i32 to index
      %get3A_380 = tpu.vector_load %arg7[%get3A_379] {strides = array<i32>} : memref<3072xi32, #tpu.memory_space<vmem>>, vector<16xi32>,
      %add3A_381 = arith.constant 2048 : i32
      %add3A_382 = arith.addi %add3A_381, %mul3A_246 : i32
      %get3A_383 = arith.index_cast %add3A_382 : i32 to index
      %get3A_384 = tpu.vector_load %arg8[%get3A_383] {strides = array<i32>} : memref<3072xi32, #tpu.memory_space<vmem>>, vector<16xi32>,
      %broadcast_in_dim3A_385 = arith.constant 0 : i32
      %broadcast_in_dim3A_386 = vector.broadcast %broadcast_in_dim3A_385 : i32 to vector<16xi32>
      %gather3A_387 = tpu.vector_load_idx %arg9[%broadcast_in_dim3A_386, %get3A_380] : memref<8x12288xf32, #tpu.memory_space<vmem>>[vector<16xi32>, vector<16xi32>], vector<16xf32>,
      %gather3A_388 = tpu.vector_load_idx %arg9[%broadcast_in_dim3A_386, %get3A_384] : memref<8x12288xf32, #tpu.memory_space<vmem>>[vector<16xi32>, vector<16xi32>], vector<16xf32>,
      %mul3A_389 = arith.mulf %gather3A_387, %gather3A_388 : vector<16xf32>
      %mul3A_390 = arith.mulf %mul3A_389, %mul3A_389 : vector<16xf32>
      %add3A_391 = arith.addf %add3A_355, %mul3A_390 : vector<16xf32>
      %broadcast_in_dim3A_392 = arith.constant 1 : i32
      %broadcast_in_dim3A_393 = vector.broadcast %broadcast_in_dim3A_392 : i32 to vector<16xi32>
      %gather3A_394 = tpu.vector_load_idx %arg9[%broadcast_in_dim3A_393, %get3A_380] : memref<8x12288xf32, #tpu.memory_space<vmem>>[vector<16xi32>, vector<16xi32>], vector<16xf32>,
      %gather3A_395 = tpu.vector_load_idx %arg9[%broadcast_in_dim3A_393, %get3A_384] : memref<8x12288xf32, #tpu.memory_space<vmem>>[vector<16xi32>, vector<16xi32>], vector<16xf32>,
      %mul3A_396 = arith.mulf %gather3A_394, %gather3A_395 : vector<16xf32>
      %mul3A_397 = arith.mulf %mul3A_396, %mul3A_396 : vector<16xf32>
      %add3A_398 = arith.addf %add3A_362, %mul3A_397 : vector<16xf32>
      %broadcast_in_dim3A_399 = arith.constant 2 : i32
      %broadcast_in_dim3A_400 = vector.broadcast %broadcast_in_dim3A_399 : i32 to vector<16xi32>
      %gather3A_401 = tpu.vector_load_idx %arg9[%broadcast_in_dim3A_400, %get3A_380] : memref<8x12288xf32, #tpu.memory_space<vmem>>[vector<16xi32>, vector<16xi32>], vector<16xf32>,
      %gather3A_402 = tpu.vector_load_idx %arg9[%broadcast_in_dim3A_400, %get3A_384] : memref<8x12288xf32, #tpu.memory_space<vmem>>[vector<16xi32>, vector<16xi32>], vector<16xf32>,
      %mul3A_403 = arith.mulf %gather3A_401, %gather3A_402 : vector<16xf32>
      %mul3A_404 = arith.mulf %mul3A_403, %mul3A_403 : vector<16xf32>
      %add3A_405 = arith.addf %add3A_369, %mul3A_404 : vector<16xf32>
      %broadcast_in_dim3A_406 = arith.constant 3 : i32
      %broadcast_in_dim3A_407 = vector.broadcast %broadcast_in_dim3A_406 : i32 to vector<16xi32>
      %gather3A_408 = tpu.vector_load_idx %arg9[%broadcast_in_dim3A_407, %get3A_380] : memref<8x12288xf32, #tpu.memory_space<vmem>>[vector<16xi32>, vector<16xi32>], vector<16xf32>,
      %gather3A_409 = tpu.vector_load_idx %arg9[%broadcast_in_dim3A_407, %get3A_384] : memref<8x12288xf32, #tpu.memory_space<vmem>>[vector<16xi32>, vector<16xi32>], vector<16xf32>,
      %mul3A_410 = arith.mulf %gather3A_408, %gather3A_409 : vector<16xf32>
      %mul3A_411 = arith.mulf %mul3A_410, %mul3A_410 : vector<16xf32>
      %add3A_412 = arith.addf %add3A_376, %mul3A_411 : vector<16xf32>
      %broadcast_in_dim3A_413 = arith.constant 4 : i32
      %broadcast_in_dim3A_414 = vector.broadcast %broadcast_in_dim3A_413 : i32 to vector<16xi32>
      %gather3A_415 = tpu.vector_load_idx %arg9[%broadcast_in_dim3A_414, %get3A_380] : memref<8x12288xf32, #tpu.memory_space<vmem>>[vector<16xi32>, vector<16xi32>], vector<16xf32>,
      %gather3A_416 = tpu.vector_load_idx %arg9[%broadcast_in_dim3A_414, %get3A_384] : memref<8x12288xf32, #tpu.memory_space<vmem>>[vector<16xi32>, vector<16xi32>], vector<16xf32>,
      %mul3A_417 = arith.mulf %gather3A_415, %gather3A_416 : vector<16xf32>
      %mul3A_418 = arith.mulf %mul3A_417, %mul3A_417 : vector<16xf32>
      %add3A_419 = arith.addf %add3A_391, %mul3A_418 : vector<16xf32>
      %broadcast_in_dim3A_420 = arith.constant 5 : i32
      %broadcast_in_dim3A_421 = vector.broadcast %broadcast_in_dim3A_420 : i32 to vector<16xi32>
      %gather3A_422 = tpu.vector_load_idx %arg9[%broadcast_in_dim3A_421, %get3A_380] : memref<8x12288xf32, #tpu.memory_space<vmem>>[vector<16xi32>, vector<16xi32>], vector<16xf32>,
      %gather3A_423 = tpu.vector_load_idx %arg9[%broadcast_in_dim3A_421, %get3A_384] : memref<8x12288xf32, #tpu.memory_space<vmem>>[vector<16xi32>, vector<16xi32>], vector<16xf32>,
      %mul3A_424 = arith.mulf %gather3A_422, %gather3A_423 : vector<16xf32>
      %mul3A_425 = arith.mulf %mul3A_424, %mul3A_424 : vector<16xf32>
      %add3A_426 = arith.addf %add3A_398, %mul3A_425 : vector<16xf32>
      %broadcast_in_dim3A_427 = arith.constant 6 : i32
      %broadcast_in_dim3A_428 = vector.broadcast %broadcast_in_dim3A_427 : i32 to vector<16xi32>
      %gather3A_429 = tpu.vector_load_idx %arg9[%broadcast_in_dim3A_428, %get3A_380] : memref<8x12288xf32, #tpu.memory_space<vmem>>[vector<16xi32>, vector<16xi32>], vector<16xf32>,
      %gather3A_430 = tpu.vector_load_idx %arg9[%broadcast_in_dim3A_428, %get3A_384] : memref<8x12288xf32, #tpu.memory_space<vmem>>[vector<16xi32>, vector<16xi32>], vector<16xf32>,
      %mul3A_431 = arith.mulf %gather3A_429, %gather3A_430 : vector<16xf32>
      %mul3A_432 = arith.mulf %mul3A_431, %mul3A_431 : vector<16xf32>
      %add3A_433 = arith.addf %add3A_405, %mul3A_432 : vector<16xf32>
      %broadcast_in_dim3A_434 = arith.constant 7 : i32
      %broadcast_in_dim3A_435 = vector.broadcast %broadcast_in_dim3A_434 : i32 to vector<16xi32>
      %gather3A_436 = tpu.vector_load_idx %arg9[%broadcast_in_dim3A_435, %get3A_380] : memref<8x12288xf32, #tpu.memory_space<vmem>>[vector<16xi32>, vector<16xi32>], vector<16xf32>,
      %gather3A_437 = tpu.vector_load_idx %arg9[%broadcast_in_dim3A_435, %get3A_384] : memref<8x12288xf32, #tpu.memory_space<vmem>>[vector<16xi32>, vector<16xi32>], vector<16xf32>,
      %mul3A_438 = arith.mulf %gather3A_436, %gather3A_437 : vector<16xf32>
      %mul3A_439 = arith.mulf %mul3A_438, %mul3A_438 : vector<16xf32>
      %add3A_440 = arith.addf %add3A_412, %mul3A_439 : vector<16xf32>
      %add3A_441 = arith.addf %add3A_419, %add3A_426 : vector<16xf32>
      %add3A_442 = arith.addf %add3A_433, %add3A_440 : vector<16xf32>
      %add3A_443 = arith.addf %add3A_441, %add3A_442 : vector<16xf32>
      %swap3A_444 = arith.index_cast %mul3A_246 : i32 to index
      %swap3A_445 = tpu.vector_load %arg11[%swap3A_444] {strides = array<i32>} : memref<1024xf32, #tpu.memory_space<vmem>>, vector<16xf32>,
      tpu.vector_store %arg11[%swap3A_444], %add3A_443 {strides = array<i32>} : memref<1024xf32, #tpu.memory_space<vmem>>, vector<16xf32>,
    }
    %scan3A_36 = arith.constant 64 : i32
    %mul3A_37 = arith.constant 1024 : i32
    %mul3A_38 = arith.muli %arg1, %mul3A_37 : i32
    "tpu.region"() ({
      %run_scoped3A = tpu.sem_alloc : memref<!tpu.dma_semaphore, #tpu.memory_space<semaphore_mem>>
      %dma_start3A_44 = tpu.memref_slice %arg13[%mul3A_38] : memref<16384xf32, #tpu.memory_space<vmem_shared>> -> memref<1024xf32, #tpu.memory_space<vmem_shared>>
      %dma_start3A_45 = tpu.memref_slice %arg13[%mul3A_38] : memref<16384xf32, #tpu.memory_space<vmem_shared>> -> memref<1024xf32, #tpu.memory_space<vmem_shared>>
      tpu.enqueue_dma source(%arg11 : memref<1024xf32, #tpu.memory_space<vmem>>) target(%dma_start3A_45 : memref<1024xf32, #tpu.memory_space<vmem_shared>>) target_semaphore(%run_scoped3A : memref<!tpu.dma_semaphore, #tpu.memory_space<semaphore_mem>>)
      %dma_wait3A_46 = tpu.memref_slice %arg13[%mul3A_38] : memref<16384xf32, #tpu.memory_space<vmem_shared>> -> memref<1024xf32, #tpu.memory_space<vmem_shared>>
      %dma_wait3A_47 = tpu.memref_slice %arg13[%mul3A_38] : memref<16384xf32, #tpu.memory_space<vmem_shared>> -> memref<1024xf32, #tpu.memory_space<vmem_shared>>
      tpu.wait_dma2 semaphore(%run_scoped3A : memref<!tpu.dma_semaphore, #tpu.memory_space<semaphore_mem>>) src(%arg11 : memref<1024xf32, #tpu.memory_space<vmem>>) dst(%dma_wait3A_47 : memref<1024xf32, #tpu.memory_space<vmem_shared>>)
      tpu.yield
    }) : () -> ()
    %barrier3A = arith.constant 0 : index
    tpu.barrier barrier_id(%barrier3A)
    %eq3A_39 = arith.constant 0 : i32
    %eq3A_40 = arith.cmpi eq, %and3A_0, %eq3A_39 : i32
    %convert_element_type3A_41 = arith.extui %eq3A_40 : i1 to i32
    %cond3A_42 = arith.constant 0 : i32
    %cond3A_43 = arith.cmpi ne, %convert_element_type3A_41, %cond3A_42 : i32
    scf.if %cond3A_43 {
      %add3A_44 = arith.constant 1 : i32
      %add3A_45 = arith.addi %arg1, %add3A_44 : i32
      %mul3A_46 = arith.constant 1024 : i32
      %mul3A_47 = arith.muli %add3A_45, %mul3A_46 : i32
      "tpu.region"() ({
        %run_scoped3A = tpu.sem_alloc : memref<!tpu.dma_semaphore, #tpu.memory_space<semaphore_mem>>
        %dma_start3A_54 = tpu.memref_slice %arg13[%mul3A_47] : memref<16384xf32, #tpu.memory_space<vmem_shared>> -> memref<1024xf32, #tpu.memory_space<vmem_shared>>
        %dma_start3A_55 = tpu.memref_slice %arg13[%mul3A_47] : memref<16384xf32, #tpu.memory_space<vmem_shared>> -> memref<1024xf32, #tpu.memory_space<vmem_shared>>
        tpu.enqueue_dma source(%dma_start3A_55 : memref<1024xf32, #tpu.memory_space<vmem_shared>>) target(%arg12 : memref<1024xf32, #tpu.memory_space<vmem>>) target_semaphore(%run_scoped3A : memref<!tpu.dma_semaphore, #tpu.memory_space<semaphore_mem>>)
        %dma_wait3A_56 = tpu.memref_slice %arg13[%mul3A_47] : memref<16384xf32, #tpu.memory_space<vmem_shared>> -> memref<1024xf32, #tpu.memory_space<vmem_shared>>
        %dma_wait3A_57 = tpu.memref_slice %arg13[%mul3A_47] : memref<16384xf32, #tpu.memory_space<vmem_shared>> -> memref<1024xf32, #tpu.memory_space<vmem_shared>>
        tpu.wait_dma2 semaphore(%run_scoped3A : memref<!tpu.dma_semaphore, #tpu.memory_space<semaphore_mem>>) src(%dma_wait3A_57 : memref<1024xf32, #tpu.memory_space<vmem_shared>>) dst(%arg12 : memref<1024xf32, #tpu.memory_space<vmem>>)
        tpu.yield
      }) : () -> ()
      %scan3A_48 = arith.constant 0 : i32
      %scan3A_49 = arith.constant 0 : i32
      %scan3A_50 = arith.constant 64 : i32
      %scan3A_51 = arith.addi %scan3A_49, %scan3A_50 : i32
      %scan3A_52 = arith.constant 4 : i32
      scf.for %scan3A_54 = %scan3A_49 to %scan3A_51 step %scan3A_52  : i32 {
        %mul3A_55 = arith.constant 16 : i32
        %mul3A_56 = arith.muli %scan3A_54, %mul3A_55 : i32
        %get3A = arith.index_cast %mul3A_56 : i32 to index
        %get3A_57 = tpu.vector_load %arg11[%get3A] {strides = array<i32>} : memref<1024xf32, #tpu.memory_space<vmem>>, vector<16xf32>,
        %get3A_58 = arith.index_cast %mul3A_56 : i32 to index
        %get3A_59 = tpu.vector_load %arg12[%get3A_58] {strides = array<i32>} : memref<1024xf32, #tpu.memory_space<vmem>>, vector<16xf32>,
        %add3A_60 = arith.addf %get3A_57, %get3A_59 : vector<16xf32>
        %swap3A = arith.index_cast %mul3A_56 : i32 to index
        %swap3A_61 = tpu.vector_load %arg11[%swap3A] {strides = array<i32>} : memref<1024xf32, #tpu.memory_space<vmem>>, vector<16xf32>,
        tpu.vector_store %arg11[%swap3A], %add3A_60 {strides = array<i32>} : memref<1024xf32, #tpu.memory_space<vmem>>, vector<16xf32>,
        %scan3A_62 = arith.constant 1 : i32
        %scan3A_63 = arith.addi %scan3A_54, %scan3A_62 : i32
        %mul3A_64 = arith.constant 16 : i32
        %mul3A_65 = arith.muli %scan3A_63, %mul3A_64 : i32
        %get3A_66 = arith.index_cast %mul3A_65 : i32 to index
        %get3A_67 = tpu.vector_load %arg11[%get3A_66] {strides = array<i32>} : memref<1024xf32, #tpu.memory_space<vmem>>, vector<16xf32>,
        %get3A_68 = arith.index_cast %mul3A_65 : i32 to index
        %get3A_69 = tpu.vector_load %arg12[%get3A_68] {strides = array<i32>} : memref<1024xf32, #tpu.memory_space<vmem>>, vector<16xf32>,
        %add3A_70 = arith.addf %get3A_67, %get3A_69 : vector<16xf32>
        %swap3A_71 = arith.index_cast %mul3A_65 : i32 to index
        %swap3A_72 = tpu.vector_load %arg11[%swap3A_71] {strides = array<i32>} : memref<1024xf32, #tpu.memory_space<vmem>>, vector<16xf32>,
        tpu.vector_store %arg11[%swap3A_71], %add3A_70 {strides = array<i32>} : memref<1024xf32, #tpu.memory_space<vmem>>, vector<16xf32>,
        %scan3A_73 = arith.constant 2 : i32
        %scan3A_74 = arith.addi %scan3A_54, %scan3A_73 : i32
        %mul3A_75 = arith.constant 16 : i32
        %mul3A_76 = arith.muli %scan3A_74, %mul3A_75 : i32
        %get3A_77 = arith.index_cast %mul3A_76 : i32 to index
        %get3A_78 = tpu.vector_load %arg11[%get3A_77] {strides = array<i32>} : memref<1024xf32, #tpu.memory_space<vmem>>, vector<16xf32>,
        %get3A_79 = arith.index_cast %mul3A_76 : i32 to index
        %get3A_80 = tpu.vector_load %arg12[%get3A_79] {strides = array<i32>} : memref<1024xf32, #tpu.memory_space<vmem>>, vector<16xf32>,
        %add3A_81 = arith.addf %get3A_78, %get3A_80 : vector<16xf32>
        %swap3A_82 = arith.index_cast %mul3A_76 : i32 to index
        %swap3A_83 = tpu.vector_load %arg11[%swap3A_82] {strides = array<i32>} : memref<1024xf32, #tpu.memory_space<vmem>>, vector<16xf32>,
        tpu.vector_store %arg11[%swap3A_82], %add3A_81 {strides = array<i32>} : memref<1024xf32, #tpu.memory_space<vmem>>, vector<16xf32>,
        %scan3A_84 = arith.constant 3 : i32
        %scan3A_85 = arith.addi %scan3A_54, %scan3A_84 : i32
        %mul3A_86 = arith.constant 16 : i32
        %mul3A_87 = arith.muli %scan3A_85, %mul3A_86 : i32
        %get3A_88 = arith.index_cast %mul3A_87 : i32 to index
        %get3A_89 = tpu.vector_load %arg11[%get3A_88] {strides = array<i32>} : memref<1024xf32, #tpu.memory_space<vmem>>, vector<16xf32>,
        %get3A_90 = arith.index_cast %mul3A_87 : i32 to index
        %get3A_91 = tpu.vector_load %arg12[%get3A_90] {strides = array<i32>} : memref<1024xf32, #tpu.memory_space<vmem>>, vector<16xf32>,
        %add3A_92 = arith.addf %get3A_89, %get3A_91 : vector<16xf32>
        %swap3A_93 = arith.index_cast %mul3A_87 : i32 to index
        %swap3A_94 = tpu.vector_load %arg11[%swap3A_93] {strides = array<i32>} : memref<1024xf32, #tpu.memory_space<vmem>>, vector<16xf32>,
        tpu.vector_store %arg11[%swap3A_93], %add3A_92 {strides = array<i32>} : memref<1024xf32, #tpu.memory_space<vmem>>, vector<16xf32>,
      }
      %scan3A_53 = arith.constant 64 : i32
      "tpu.region"() ({
        %run_scoped3A = tpu.sem_alloc : memref<!tpu.dma_semaphore, #tpu.memory_space<semaphore_mem>>
        %dma_start3A_54 = tpu.memref_slice %arg6[%mul3A_4] : memref<16384xf32, #tpu.memory_space<hbm>> -> memref<1024xf32, #tpu.memory_space<hbm>>
        %dma_start3A_55 = tpu.memref_slice %arg6[%mul3A_4] : memref<16384xf32, #tpu.memory_space<hbm>> -> memref<1024xf32, #tpu.memory_space<hbm>>
        tpu.enqueue_dma source(%arg11 : memref<1024xf32, #tpu.memory_space<vmem>>) target(%dma_start3A_55 : memref<1024xf32, #tpu.memory_space<hbm>>) target_semaphore(%run_scoped3A : memref<!tpu.dma_semaphore, #tpu.memory_space<semaphore_mem>>)
        %dma_wait3A_56 = tpu.memref_slice %arg6[%mul3A_4] : memref<16384xf32, #tpu.memory_space<hbm>> -> memref<1024xf32, #tpu.memory_space<hbm>>
        %dma_wait3A_57 = tpu.memref_slice %arg6[%mul3A_4] : memref<16384xf32, #tpu.memory_space<hbm>> -> memref<1024xf32, #tpu.memory_space<hbm>>
        tpu.wait_dma2 semaphore(%run_scoped3A : memref<!tpu.dma_semaphore, #tpu.memory_space<semaphore_mem>>) src(%arg11 : memref<1024xf32, #tpu.memory_space<vmem>>) dst(%dma_wait3A_57 : memref<1024xf32, #tpu.memory_space<hbm>>)
        tpu.yield
      }) : () -> ()
    } else {
    }
    return
  }
}

</mosaic_0001>

<sc_bundles>
// kernel: kernel.3.cloned.1.call-start
scs
__scs_entry_jumppad:
0x0: {  	(pc) =	sbr.rel $0x88, $3  }
0x1: {  	(tag) =	ssettag $0x0;
	lr =	simm.s32 $0x1  }
0x2: {  	[smem:$0x3F9D] =	sst lr;
	_ =	strace $0xD0000000  }
0x3: {  	_ = 	snop  }
0x4: {  	_ = 	snop  }
0x5: {  	_ = 	snop  }
0x6: {  	_ = 	snop  }
0x7: {  	_ = 	snop  }
__scs_overlays_trampoline_lowered:
0x8: {  	[smem:$0x3FAC] =	sst s0  }
0x9: {  	[smem:$0x3FAD] =	sst s1  }
0xa: {  	[smem:$0x3FAE] =	sst s2  }
0xb: {  	[smem:$0x3FAF] =	sst s3  }
0xc: {  	[smem:$0x3FB0] =	sst s4  }
0xd: {  	[smem:$0x3FB1] =	sst s5  }
0xe: {  	[smem:$0x3FB2] =	sst s6  }
0xf: {  	[smem:$0x3FB3] =	sst s7  }
0x10: {  	[smem:$0x3FB4] =	sst s8  }
0x11: {  	[smem:$0x3FB5] =	sst s9;
	s0 =	simm.s32 @!p0 $0x0  }
0x12: {  	s1 =	sld [smem:$0x3F9B];
	s0 =	simm.s32 @p0 $0x1  }
0x13: {  	[smem:$0x3FB6] =	sst s0;
	s0 =	simm.s32 @!p1 $0x0  }
0x14: {  	s2 =	sld [smem:$0x3F9A];
	s0 =	simm.s32 @p1 $0x1  }
0x15: {  	[smem:$0x3FB7] =	sst s0;
	s0 =	simm.s32 @!p2 $0x0  }
0x16: {  	s3 =	sld [smem:$0x3FDB];
	s0 =	simm.s32 @p2 $0x1  }
0x17: {  	s4 =	simm.s32 $0x1BF5;
	[smem:$0x3FB9] =	sst s0  }
0x18: {  	s0 =	sld [smem:$0x3F9C];
	_ =	swait.ge [sflag:s4], $0x0  }
0x19: {  	s7 =	sld [smem:$0x3F9D]  }
0x1a: {  	s8 =	sadd.s32 $0xFFFFE003, lr  }
0x1b: {  	s9 =	sadd.s32 $0xFFFFFEF7, lr;
	s5 =	simm.s32 $0xFFFFFFFF;
	p2 =	slt.u32 s8, $0xFFFFF086  }
0x1c: {  	p1 =	slt.u32 s9, $0xF7A;
	s5 =	simm.s32 @!p2 $0x0  }
0x1d: {  	s5 =	simm.s32 @p1 $0x1;
	p0 =	seq.s32 s7, s2  }
0x1e: {  	s7 =	smul.u32 @!p0 $0xF7A, s2;
	p2 =	seq.s32 @!p0 s5, $0x0  }
0x1f: {  	s9 =	smul.u32 $0xF7A, s1;
	s8 =	simm.s32 @!p0 $0x1BF5;
	p2 =	por !p2, p0  }
0x20: {  	[sflag:s8] =	ssyncset.s32 @!p0 $0xFFFFF086;
	s6 =	sadd.s32 @!p0 s3, s7;
	s7 =	simm.s32 @!p0 $0x108  }
0x21: {  	s3 =	sadd.s32 s3, s9;
	s6 =	sadd.s32 @!p0 $0x88, s6;
	s7 =	simm.s32 @p2 $0x1082  }
0x22: {  	[simem:s7], [sflag:s8] =	dma.local @!p0 [hbm:s6], $0xF7A  }
0x23: {  	s9 =	sor.u32 $0xD0000000, s2;
	s6 =	simm.s32 $0x108;
	_ =	swait.ge @!p0 [sflag:s8], $0x0  }
0x24: {  	s3 =	sadd.s32 $0x88, s3;
	s6 =	simm.s32 @!p1 $0x1082;
	[sflag:s4] =	ssyncset.s32 $0xFFFFF086  }
0x25: {  	[simem:s6], [sflag:s4] =	dma.local [hbm:s3], $0xF7A  }
0x26: {  	[smem:$0x3F9D] =	sst s1;
	(tag) =	ssettag s2;
	_ =	strace s9  }
0x27: {  	s1 =	sld [smem:$0x3FAD]  }
0x28: {  	s2 =	sld [smem:$0x3FAE]  }
0x29: {  	s4 =	sld [smem:$0x3FB0]  }
0x2a: {  	p0 =	seq.s32 s5, $0x0;
	s5 =	sld [smem:$0x3FB1]  }
0x2b: {  	s6 =	sld [smem:$0x3FB2]  }
0x2c: {  	s7 =	sld [smem:$0x3FB3]  }
0x2d: {  	s3 =	simm.s32 $0x108;
	s8 =	sld [smem:$0x3FB4]  }
0x2e: {  	s3 =	simm.s32 @!p0 $0x1082;
	s9 =	sld [smem:$0x3FB5]  }
0x2f: {  	lr =	sadd.s32 s0, s3;
	s0 =	sld [smem:$0x3FAC]  }
0x30: {  	s3 =	sld [smem:$0x3FAF]  }
0x31: {  	[smem:$0x3FB8] =	sst s10  }
0x32: {  	s10 =	sld [smem:$0x3FB6];
	_ =	sdelay $0x3  }
0x33: {  	p0 =	seq.s32 s10, $0x1;
	s10 =	sld [smem:$0x3FB8];
	_ =	sdelay $0x3  }
0x34: {  	[smem:$0x3FB8] =	sst s10  }
0x35: {  	s10 =	sld [smem:$0x3FB7];
	_ =	sdelay $0x3  }
0x36: {  	p1 =	seq.s32 s10, $0x1;
	s10 =	sld [smem:$0x3FB8];
	_ =	sdelay $0x3  }
0x37: {  	[smem:$0x3FB8] =	sst s10  }
0x38: {  	s10 =	sld [smem:$0x3FB9]  }
0x39: {  	_ = 	snop;
	(pc) =	sbr.ind lr, $3  }
0x3a: {  	_ = 	snop  }
0x3b: {  	_ = 	snop  }
0x3c: {  	p2 =	seq.s32 s10, $0x1;
	s10 =	sld [smem:$0x3FB8]  }
0x3d: {  	_ =	shalt  }
0x3e: {  	_ =	shalt  }
0x3f: {  	_ =	shalt  }
0x40: {  	_ =	shalt  }
0x41: {  	_ =	shalt  }
0x42: {  	_ =	shalt  }
0x43: {  	_ =	shalt  }
0x44: {  	_ =	shalt  }
0x45: {  	_ =	shalt  }
0x46: {  	_ =	shalt  }
0x47: {  	_ =	shalt  }
0x48: {  	_ =	shalt  }
0x49: {  	_ =	shalt  }
0x4a: {  	_ =	shalt  }
0x4b: {  	_ =	shalt  }
0x4c: {  	_ =	shalt  }
0x4d: {  	_ =	shalt  }
0x4e: {  	_ =	shalt  }
0x4f: {  	_ =	shalt  }
0x50: {  	_ =	shalt  }
0x51: {  	_ =	shalt  }
0x52: {  	_ =	shalt  }
0x53: {  	_ =	shalt  }
0x54: {  	_ =	shalt  }
0x55: {  	_ =	shalt  }
0x56: {  	_ =	shalt  }
0x57: {  	_ =	shalt  }
0x58: {  	_ =	shalt  }
0x59: {  	_ =	shalt  }
0x5a: {  	_ =	shalt  }
0x5b: {  	_ =	shalt  }
0x5c: {  	_ =	shalt  }
0x5d: {  	_ =	shalt  }
0x5e: {  	_ =	shalt  }
0x5f: {  	_ =	shalt  }
0x60: {  	_ =	shalt  }
0x61: {  	_ =	shalt  }
0x62: {  	_ =	shalt  }
0x63: {  	_ =	shalt  }
0x64: {  	_ =	shalt  }
0x65: {  	_ =	shalt  }
0x66: {  	_ =	shalt  }
0x67: {  	_ =	shalt  }
0x68: {  	_ =	shalt  }
0x69: {  	_ =	shalt  }
0x6a: {  	_ =	shalt  }
0x6b: {  	_ =	shalt  }
0x6c: {  	_ =	shalt  }
0x6d: {  	_ =	shalt  }
0x6e: {  	_ =	shalt  }
0x6f: {  	_ =	shalt  }
0x70: {  	_ =	shalt  }
0x71: {  	_ =	shalt  }
0x72: {  	_ =	shalt  }
0x73: {  	_ =	shalt  }
0x74: {  	_ =	shalt  }
0x75: {  	_ =	shalt  }
0x76: {  	_ =	shalt  }
0x77: {  	_ =	shalt  }
0x78: {  	_ =	shalt  }
0x79: {  	_ =	shalt  }
0x7a: {  	_ =	shalt  }
0x7b: {  	_ =	shalt  }
0x7c: {  	_ =	shalt  }
0x7d: {  	_ =	shalt  }
0x7e: {  	_ =	shalt  }
0x7f: {  	_ =	shalt  }
0x80: {  	_ =	shalt  }
0x81: {  	_ =	shalt  }
0x82: {  	_ =	shalt  }
0x83: {  	_ =	shalt  }
0x84: {  	_ =	shalt  }
0x85: {  	_ =	shalt  }
0x86: {  	_ =	shalt  }
0x87: {  	_ =	shalt  }
.Lfunc_end0:
.L_simem_size_0:
called_computation_lowered:
.L_overlay_start_0:
0x88: {  	s2 =	sld [smem:$0x3FD9]  }
0x89: {  	s3 =	sld [smem:$0x3FFE];
	_ =	sdelay $0x1  }
0x8a: {  	s1 =	srdreg.scid  }
0x8b: {  	s0 =	sand.u32 $0x1, s1  }
0x8c: {  	s17 =	sshll.u32 s0, $0xA;
	s2 =	sadd.s32 s3, s2  }
0x8d: {  	s2 =	sadd.s32 s2, s17  }
0x8e: {  	[smem:$0x3FC4] =	sst s2  }
0x8f: {  	_ = 	snop  }
0x90: {  	s2 =	sld [smem:$0x3FD0];
	(tm) =	ssettm $0x1  }
0x91: {  	s18 =	sld [smem:$0x3FFB];
	_ =	sdelay $0x3  }
0x92: {  	_ =	strace s18  }
0x93: {  	s3 =	sld [smem:$0x3FFC];
	_ =	sdelay $0x3  }
0x94: {  	_ =	strace s3  }
0x95: {  	s3 =	sld [smem:$0x3FFD];
	_ =	sdelay $0x3  }
0x96: {  	_ =	strace s3  }
0x97: {  	_ =	strace $0x8FFFFFFF  }
0x98: {  	s19 =	sld [smem:$0x3FDB];
	_ =	sdelay $0x1  }
0x99: {  	s4 =	simm.s32 $_scs_section_size  }
0x9a: {  	s5 =	simm.s32 $_size__tile_overlayer_lowered;
	s6 =	simm.s32 $_tile_overlayer_lowered  }
0x9b: {  	s22 =	simm.s32 $0x1BFF;
	s21 =	sshll.u32 s6, $0x1;
	s3 =	sadd.s32 s4, s19  }
0x9c: {  	s7 =	simm.s32 $0x0;
	s20 =	sshll.u32 s5, $0x1;
	s5 =	sadd.s32 s21, s3  }
0x9d: {  	[timem:s7], [sflag:s22] =	dma.local [hbm:s5], s20  }
0x9e: {  	_ =	swait.ge [sflag:s22], s20  }
0x9f: {  	s4 =	ssub.s32 $0x0, s20;
	[sflag:s22] =	ssyncset.done $0x0  }
0xa0: {  	[sflag:s22] =	ssyncadd.s32 s4;
	_ =	sdelay $0x1  }
0xa1: {  	s23 =	simm.s32 $0x1B8B  }
0xa2: {  	_ =	swait.ge [sflag:s23], $0x1  }
0xa3: {  	[sflag:s23] =	ssyncset.done $0x0  }
0xa4: {  	s25 =	simm.s32 $0x1B8E;
	s24 =	sld [smem:$0x3FFE];
	[sflag:s23] =	ssyncadd.s32 $0xFFFFFFFF  }
0xa5: {  	s26 =	simm.s32 $execute0_lowered;
	[smem:$0x3FD2] =	sst s25  }
0xa6: {  	s5 =	sshll.u32 s26, $0x1;
	_ =	strace $0x80000046;
	[dreg:$0x1] =	wrdreg $0xFFFFFFFF  }
0xa7: {  	s28 =	simm.s32 $_size_execute0_lowered;
	s3 =	sadd.s32 s3, s5;
	[dreg:$0x0] =	wrdreg $0x0  }
0xa8: {  	s5 =	sshll.u32 s28, $0x1;
	[dreg:$0x2] =	wrdreg s3  }
0xa9: {  	[dreg:$0x3] =	wrdreg s5  }
0xaa: {  	[dreg:$0x4] =	wrdreg $0xC0  }
0xab: {  	_ =	task [dreg:s7], $0x5FFFF  }
0xac: {  	[dreg:$0x1] =	wrdreg $0xFFFFFFFF  }
0xad: {  	[dreg:$0x0] =	wrdreg $0x60  }
0xae: {  	[dreg:$0x2] =	wrdreg s24  }
0xaf: {  	[dreg:$0x3] =	wrdreg s2  }
0xb0: {  	[dreg:$0x4] =	wrdreg $0x1D0000  }
0xb1: {  	[dreg:$0x5] =	wrdreg $0x9  }
0xb2: {  	_ =	task.clear_ibuf [dreg:s7], $0x6FFFF;
	_ =	strace $0x90000046  }
0xb3: {  	s29 =	simm.s32 $0x9;
	_ =	strace $0x80000048  }
0xb4: {  	_ =	swait.ge [sflag:s29], $0x1  }
0xb5: {  	[sflag:s29] =	ssyncadd.s32 $0xFFFFFFFF  }
0xb6: {  	_ =	strace $0x90000048  }
0xb7: {  	_ =	sfence  }
0xb8: {  	s30 =	sld [smem:$0x0];
	_ =	sdelay $0x2  }
0xb9: {  	s31 =	sshll.u32 s1, $0xD;
	s1 =	sshrl.u32 s1, $0x2  }
0xba: {  	s3 =	sand.u32 $0x4000, s31;
	s1 =	sadd.s32 s1, s30  }
0xbb: {  	s0 =	sor.u32 s3, s0;
	s1 =	sshll.u32 s1, $0x11  }
0xbc: {  	s0 =	sor.u32 s1, s0  }
0xbd: {  	s0 =	sadd.s32 $0x8F2B, s0  }
0xbe: {  	[sflag:s0] =	ssyncadd.remote.s32 $0x1  }
0xbf: {  	_ =	sfence.sel $0xFFFF  }
0xc0: {  	[dreg:$0x0] =	wrdreg $0xFFFFFFFF;
	(pc) =	sbr.abs _section_cstart, $3  }
0xc1: {  	[dreg:$0x1] =	wrdreg $0xFFFFFFFF  }
0xc2: {  	_ =	task.clear_ibuf [dreg:s7], $0x2FFFF;
	_ =	strace $0x9FFFFFFF  }
0xc3: {  	(tm) =	ssettm $0x7FFFFFFF  }
tec
execute0_lowered:
.L_overlay_start_1:
0x0: {  	(tag) =	ssettag $0x1  }
0x1: {  	s3 =	rddreg [dreg:$0x0]  }
0x2: {  	s13 =	rddreg [dreg:$0x1]  }
0x3: {  	s10 =	rddreg [dreg:$0x2];
	s1 =	stileid.u32  }
0x4: {  	s0 =	rddreg [dreg:$0x3];
	s2 =	simm.s32 $0x0;
	s5 =	srdreg.scid  }
0x5: {  	s17 =	simm.s32 $0x2;
	s18 =	simm.s32 $0xC00;
	s19 =	simm.s32 $0x400  }
0x6: {  	s20 =	simm.s32 $0x1000;
	s21 =	simm.s32 $0x800;
	s22 =	simm.s32 $0x1400  }
0x7: {  	s23 =	simm.s32 $0x1;
	s25 =	simm.s32 $0x1CC00;
	s26 =	simm.s32 $0x0  }
0x8: {  	s24 =	sand.u32 $0x1, s1;
	[smem:$0x7FF] =	sst s2;
	s9 =	sadd.s32 $0x2200, s3  }
0x9: {  	s11 =	sadd.s32 $0xA00, s3;
	s5 =	sand.u32 $0x1, s5;
	s7 =	sshll.u32 s1, $0x6  }
0xa: {  	s16 =	sshll.u32 s1, $0xA;
	s4 =	smul.u32 $0x3000, s24;
	_ =	strace $0x80000047  }
0xb: {  	s6 =	ssub.s32 $0x2, s5;
	s5 =	sshll.u32 s5, $0xA;
	s7 =	sand.u32 $0x380, s7  }
0xc: {  	s10 =	sadd.s32 s16, s10;
	p0 =	seq.s32 s24, $0x0;
	s16 =	simm.s32 $0x19800  }
0xd: {  	p1 =	sne.s32 s24, $0x0;
	s24 =	simm.s32 $0x1C800;
	s8 =	sshrl.u32 s6, $0x1  }
0xe: {  	s15 =	sor.u32 s5, s7;
	s4 =	sadd.s32 s4, s3;
	s3 =	sadd.s32 $0x9A00, s3  }
.Ltmp0:
0xf: {  	s14 =	ssub.s32 s6, s8;
	s5 =	sadd.s32 s9, s15;
	(pc) =	sbr.rel .LBB2_1-.Ltmp0, $4  }
0x10: {  	s6 =	sadd.s32 s11, s15;
	s31 =	sor.u32 $0x800, s15;
	s12 =	sor.u32 $0x1000, s15  }
0x11: {  	s13 =	sadd.s32 s13, s15;
	s15 =	simm.s32 $0x1800;
	s4 =	sadd.s32 $0x3A00, s4  }
0x12: {  	s7 =	sadd.s32 s9, s31;
	s8 =	sadd.s32 s11, s31;
	s9 =	sadd.s32 s9, s12  }
0x13: {  	v0 =	vimm.f32 $0.0e+00;
	s11 =	sadd.s32 s11, s12;
	s12 =	sadd.s32 $0x400, s10;
	s14 =	smax.u32 s14, $0x1  }
.LBB2_9:
0x14: {  	[tilespmem:s28+$0x10] =	vst v1  }
0x15: {  	[hbm4b:s13+s2] =	stream.linear.scatter [tilespmem:s24], [sflag:$0x2], $0x400, $0x38;
	[tilespmem:$0x1D400] =	vst v63  }
0x16: {  	_ =	swait.ge [sflag:s17], $0x400  }
0x17: {  	[sflag:s17] =	ssyncset.done $0x0  }
0x18: {  	[sflag:s17] =	ssyncadd.s32 $0xFFFFFC00  }
.LBB2_10:
0x19: {  	s26 =	sadd.s32 $0x1, s26  }
0x1a: {  	p2 =	sne.s32 s26, s14  }
.Ltmp1:
0x1b: {  	_ = 	snop;
	(pc) =	sbr.rel @!p2 .LBB2_11-.Ltmp1, $1  }
0x1c: {  	_ =	sdelay $0x3  }
.LBB2_1:
0x1d: {  	[tilespmem:s15], [sflag:$0x1] =	stream.linear.gather [hbm4b:s4+s2], $0x18000, $0x38;
	[tilespmem:$0x1D400] =	vst v63  }
0x1e: {  	_ = 	snop  }
0x1f: {  	[tilespmem:s16], [sflag:$0x2] =	stream.linear.gather [hbm4b:s3+s2], $0x3000, $0x38;
	[tilespmem:$0x1D400] =	vst v63  }
0x20: {  	_ =	swait.ge [sflag:s17], $0x3000  }
0x21: {  	[sflag:s17] =	ssyncset.done $0x0  }
0x22: {  	[sflag:s17] =	ssyncadd.s32 $0xFFFFD000  }
0x23: {  	[tilespmem:s2], [sflag:$0x2] =	stream.linear.gather [hbm4b:s5+s2], $0x400, $0x38;
	[tilespmem:$0x1D400] =	vst v63  }
0x24: {  	_ =	swait.ge [sflag:s17], $0x400  }
0x25: {  	[sflag:s17] =	ssyncset.done $0x0  }
0x26: {  	[sflag:s17] =	ssyncadd.s32 $0xFFFFFC00  }
0x27: {  	[tilespmem:s18], [sflag:$0x2] =	stream.linear.gather [hbm4b:s6+s2], $0x400, $0x38;
	[tilespmem:$0x1D400] =	vst v63  }
0x28: {  	_ =	swait.ge [sflag:s17], $0x400  }
0x29: {  	[sflag:s17] =	ssyncset.done $0x0  }
0x2a: {  	[sflag:s17] =	ssyncadd.s32 $0xFFFFFC00  }
0x2b: {  	[tilespmem:s19], [sflag:$0x2] =	stream.linear.gather [hbm4b:s7+s2], $0x400, $0x38;
	[tilespmem:$0x1D400] =	vst v63  }
0x2c: {  	_ =	swait.ge [sflag:s17], $0x400  }
0x2d: {  	[sflag:s17] =	ssyncset.done $0x0  }
0x2e: {  	[sflag:s17] =	ssyncadd.s32 $0xFFFFFC00  }
0x2f: {  	[tilespmem:s20], [sflag:$0x2] =	stream.linear.gather [hbm4b:s8+s2], $0x400, $0x38;
	[tilespmem:$0x1D400] =	vst v63  }
0x30: {  	_ =	swait.ge [sflag:s17], $0x400  }
0x31: {  	[sflag:s17] =	ssyncset.done $0x0  }
0x32: {  	[sflag:s17] =	ssyncadd.s32 $0xFFFFFC00  }
0x33: {  	[tilespmem:s21], [sflag:$0x2] =	stream.linear.gather [hbm4b:s9+s2], $0x400, $0x38;
	[tilespmem:$0x1D400] =	vst v63  }
0x34: {  	_ =	swait.ge [sflag:s17], $0x400  }
0x35: {  	[sflag:s17] =	ssyncset.done $0x0  }
.Ltmp2:
0x36: {  	[sflag:s17] =	ssyncadd.s32 $0xFFFFFC00;
	(pc) =	sbr.rel @!p0 .LBB2_12-.Ltmp2, $4  }
0x37: {  	[tilespmem:s22], [sflag:$0x2] =	stream.linear.gather [hbm4b:s11+s2], $0x400, $0x38;
	[tilespmem:$0x1D400] =	vst v63  }
0x38: {  	_ =	swait.ge [sflag:s17], $0x400  }
0x39: {  	[sflag:s17] =	ssyncset.done $0x0  }
0x3a: {  	[sflag:s17] =	ssyncadd.s32 $0xFFFFFC00  }
0x3b: {  	s28 =	simm.s32 $0xFFFFFFFE  }
0x3c: {  	s29 =	simm.s32 $0x410;
	s30 =	simm.s32 $0x1010;
	s31 =	simm.s32 $0x1C810  }
.LBB2_3:
0x3d: {  	v1 =	vld [tilespmem:s29+$0xFFFFFBF0]  }
0x3e: {  	v2 =	vld [tilespmem:s29+$0xFFFFFFF0];
	_ =	sdelay $0x1  }
0x3f: {  	v3 =	vld [tilespmem:s29+$0x3F0];
	_ =	sdelay $0x3  }
0x40: {  	v4 =	vld [tilespmem:s30+$0xFFFFFBF0]  }
0x41: {  	v5 =	vld.idx.msk [tilespmem:v1+s16+$0x0], $0xffff  }
0x42: {  	v6 =	vld.idx.msk [tilespmem:v2+s16+$0x0], $0xffff  }
0x43: {  	v7 =	vld [tilespmem:s30+$0xFFFFFFF0]  }
0x44: {  	v8 =	vld.idx.msk [tilespmem:v3+s16+$0x0], $0xffff  }
0x45: {  	v9 =	vld [tilespmem:s30+$0x3F0];
	_ =	sdelay $0x1  }
0x46: {  	v5 =	vmul.f32 v5, v5;
	v6 =	vmul.f32 v6, v6  }
0x47: {  	vm0 =	veq.s32 v1, v4;
	vm1 =	veq.s32 v2, v7  }
0x48: {  	v56 =	vmul.f32 v8, v8;
	v1 =	vnsel vm0, $0x0, v5;
	v2 =	vnsel vm1, $0x0, v6  }
0x49: {  	vm12 =	veq.s32 v3, v9;
	v1 =	vadd.f32 v2, v1  }
0x4a: {  	v2 =	vnsel vm12, $0x0, v56  }
0x4b: {  	v1 =	vadd.f32 v2, v1;
	_ =	sdelay $0x1  }
0x4c: {  	[tilespmem:s31+$0xFFFFFFF0] =	vst v1  }
0x4d: {  	v1 =	vld [tilespmem:s29+$0xFFFFFC00]  }
0x4e: {  	v2 =	vld [tilespmem:s29+$0x0];
	_ =	sdelay $0x1  }
0x4f: {  	v3 =	vld [tilespmem:s29+$0x400];
	_ =	sdelay $0x3  }
0x50: {  	v57 =	vld [tilespmem:s30+$0xFFFFFC00]  }
0x51: {  	v58 =	vld.idx.msk [tilespmem:v1+s16+$0x0], $0xffff  }
0x52: {  	v59 =	vld.idx.msk [tilespmem:v2+s16+$0x0], $0xffff  }
0x53: {  	v60 =	vld [tilespmem:s30+$0x0]  }
0x54: {  	v61 =	vld.idx.msk [tilespmem:v3+s16+$0x0], $0xffff  }
0x55: {  	v62 =	vld [tilespmem:s30+$0x400];
	_ =	sdelay $0x1  }
0x56: {  	v5 =	vmul.f32 v58, v58;
	v6 =	vmul.f32 v59, v59  }
0x57: {  	s28 =	sadd.s32 $0x2, s28;
	vm13 =	veq.s32 v1, v57;
	vm14 =	veq.s32 v2, v60  }
0x58: {  	p2 =	slt.u32 s28, $0x3E;
	v63 =	vmul.f32 v61, v61;
	v1 =	vnsel vm13, $0x0, v5;
	v2 =	vnsel vm14, $0x0, v6  }
.Ltmp3:
0x59: {  	vm15 =	veq.s32 v3, v62;
	v1 =	vadd.f32 v2, v1;
	(pc) =	sbr.rel @p2 .LBB2_3-.Ltmp3, $3  }
0x5a: {  	v2 =	vnsel vm15, $0x0, v63  }
0x5b: {  	v1 =	vadd.f32 v2, v1;
	_ =	sdelay $0x1  }
0x5c: {  	s29 =	sadd.s32 $0x20, s29;
	s30 =	sadd.s32 $0x20, s30;
	[tilespmem:s31+$0x0] =	vst v1;
	s31 =	sadd.s32 $0x20, s31  }
.Ltmp4:
0x5d: {  	_ = 	snop;
	(pc) =	sbr.rel .LBB2_4-.Ltmp4, $1  }
0x5e: {  	_ =	sdelay $0x3  }
.LBB2_12:
0x5f: {  	[tilespmem:$0x1C800] =	vst v0  }
0x60: {  	[tilespmem:$0x1C810] =	vst v0  }
0x61: {  	[tilespmem:$0x1C820] =	vst v0  }
0x62: {  	[tilespmem:$0x1C830] =	vst v0  }
0x63: {  	[tilespmem:$0x1C840] =	vst v0  }
0x64: {  	[tilespmem:$0x1C850] =	vst v0  }
0x65: {  	[tilespmem:$0x1C860] =	vst v0  }
0x66: {  	[tilespmem:$0x1C870] =	vst v0  }
0x67: {  	[tilespmem:$0x1C880] =	vst v0  }
0x68: {  	[tilespmem:$0x1C890] =	vst v0  }
0x69: {  	[tilespmem:$0x1C8A0] =	vst v0  }
0x6a: {  	[tilespmem:$0x1C8B0] =	vst v0  }
0x6b: {  	[tilespmem:$0x1C8C0] =	vst v0  }
0x6c: {  	[tilespmem:$0x1C8D0] =	vst v0  }
0x6d: {  	[tilespmem:$0x1C8E0] =	vst v0  }
0x6e: {  	[tilespmem:$0x1C8F0] =	vst v0  }
0x6f: {  	[tilespmem:$0x1C900] =	vst v0  }
0x70: {  	[tilespmem:$0x1C910] =	vst v0  }
0x71: {  	[tilespmem:$0x1C920] =	vst v0  }
0x72: {  	[tilespmem:$0x1C930] =	vst v0  }
0x73: {  	[tilespmem:$0x1C940] =	vst v0  }
0x74: {  	[tilespmem:$0x1C950] =	vst v0  }
0x75: {  	[tilespmem:$0x1C960] =	vst v0  }
0x76: {  	[tilespmem:$0x1C970] =	vst v0  }
0x77: {  	[tilespmem:$0x1C980] =	vst v0  }
0x78: {  	[tilespmem:$0x1C990] =	vst v0  }
0x79: {  	[tilespmem:$0x1C9A0] =	vst v0  }
0x7a: {  	[tilespmem:$0x1C9B0] =	vst v0  }
0x7b: {  	[tilespmem:$0x1C9C0] =	vst v0  }
0x7c: {  	[tilespmem:$0x1C9D0] =	vst v0  }
0x7d: {  	[tilespmem:$0x1C9E0] =	vst v0  }
0x7e: {  	[tilespmem:$0x1C9F0] =	vst v0  }
0x7f: {  	[tilespmem:$0x1CA00] =	vst v0  }
0x80: {  	[tilespmem:$0x1CA10] =	vst v0  }
0x81: {  	[tilespmem:$0x1CA20] =	vst v0  }
0x82: {  	[tilespmem:$0x1CA30] =	vst v0  }
0x83: {  	[tilespmem:$0x1CA40] =	vst v0  }
0x84: {  	[tilespmem:$0x1CA50] =	vst v0  }
0x85: {  	[tilespmem:$0x1CA60] =	vst v0  }
0x86: {  	[tilespmem:$0x1CA70] =	vst v0  }
0x87: {  	[tilespmem:$0x1CA80] =	vst v0  }
0x88: {  	[tilespmem:$0x1CA90] =	vst v0  }
0x89: {  	[tilespmem:$0x1CAA0] =	vst v0  }
0x8a: {  	[tilespmem:$0x1CAB0] =	vst v0  }
0x8b: {  	[tilespmem:$0x1CAC0] =	vst v0  }
0x8c: {  	[tilespmem:$0x1CAD0] =	vst v0  }
0x8d: {  	[tilespmem:$0x1CAE0] =	vst v0  }
0x8e: {  	[tilespmem:$0x1CAF0] =	vst v0  }
0x8f: {  	[tilespmem:$0x1CB00] =	vst v0  }
0x90: {  	[tilespmem:$0x1CB10] =	vst v0  }
0x91: {  	[tilespmem:$0x1CB20] =	vst v0  }
0x92: {  	[tilespmem:$0x1CB30] =	vst v0  }
0x93: {  	[tilespmem:$0x1CB40] =	vst v0  }
0x94: {  	[tilespmem:$0x1CB50] =	vst v0  }
0x95: {  	[tilespmem:$0x1CB60] =	vst v0  }
0x96: {  	[tilespmem:$0x1CB70] =	vst v0  }
0x97: {  	[tilespmem:$0x1CB80] =	vst v0  }
0x98: {  	[tilespmem:$0x1CB90] =	vst v0  }
0x99: {  	[tilespmem:$0x1CBA0] =	vst v0  }
0x9a: {  	[tilespmem:$0x1CBB0] =	vst v0  }
0x9b: {  	[tilespmem:$0x1CBC0] =	vst v0  }
0x9c: {  	[tilespmem:$0x1CBD0] =	vst v0  }
0x9d: {  	[tilespmem:$0x1CBE0] =	vst v0  }
0x9e: {  	[tilespmem:$0x1CBF0] =	vst v0  }
.LBB2_4:
0x9f: {  	_ =	swait.ge [sflag:s23], $0x18000  }
0xa0: {  	s28 =	simm.s32 $0xFFFFFFFE;
	s29 =	simm.s32 $0x1C810;
	[sflag:s23] =	ssyncset.done $0x0  }
0xa1: {  	s30 =	simm.s32 $0x410;
	s31 =	simm.s32 $0x1010;
	[sflag:s23] =	ssyncadd.s32 $0xFFFE8000  }
.LBB2_5:
0xa2: {  	v1 =	vld [tilespmem:s30+$0xFFFFFBF0]  }
0xa3: {  	v2 =	vld [tilespmem:s31+$0xFFFFFBF0]  }
0xa4: {  	v18 =	vld [tilespmem:s30+$0xFFFFFFF0]  }
0xa5: {  	v19 =	vld [tilespmem:s31+$0xFFFFFFF0]  }
0xa6: {  	v34 =	vld [tilespmem:s30+$0x3F0]  }
0xa7: {  	v35 =	vld [tilespmem:s31+$0x3F0];
	_ =	sdelay $0x1  }
0xa8: {  	v5 =	vld [tilespmem:s29+$0xFFFFFFF0]  }
0xa9: {  	v7 =	vld.idx.msk [tilespmem:v1+s15+$0x0], $0xffff  }
0xaa: {  	v3 =	vadd.s32 $0x3000, v1;
	v9 =	vld.idx.msk [tilespmem:v2+s15+$0x0], $0xffff  }
0xab: {  	v4 =	vadd.s32 $0x3000, v2;
	v23 =	vld.idx.msk [tilespmem:v18+s15+$0x0], $0xffff  }
0xac: {  	v6 =	vadd.s32 $0x6000, v1;
	v25 =	vld.idx.msk [tilespmem:v19+s15+$0x0], $0xffff  }
0xad: {  	v8 =	vadd.s32 $0x6000, v2;
	v46 =	vld.idx.msk [tilespmem:v34+s15+$0x0], $0xffff  }
0xae: {  	v10 =	vadd.s32 $0x9000, v1;
	v49 =	vld.idx.msk [tilespmem:v35+s15+$0x0], $0xffff  }
0xaf: {  	v11 =	vadd.s32 $0x9000, v2;
	v3 =	vld.idx.msk [tilespmem:v3+s15+$0x0], $0xffff  }
0xb0: {  	v12 =	vadd.s32 $0xC000, v1;
	v4 =	vld.idx.msk [tilespmem:v4+s15+$0x0], $0xffff  }
0xb1: {  	v13 =	vadd.s32 $0xC000, v2;
	v6 =	vld.idx.msk [tilespmem:v6+s15+$0x0], $0xffff  }
0xb2: {  	v14 =	vadd.s32 $0xF000, v1;
	v8 =	vld.idx.msk [tilespmem:v8+s15+$0x0], $0xffff  }
0xb3: {  	v15 =	vadd.s32 $0xF000, v2;
	v10 =	vld.idx.msk [tilespmem:v10+s15+$0x0], $0xffff  }
0xb4: {  	v16 =	vadd.s32 $0x12000, v1;
	v11 =	vld.idx.msk [tilespmem:v11+s15+$0x0], $0xffff  }
0xb5: {  	v17 =	vadd.s32 $0x12000, v2;
	v12 =	vld.idx.msk [tilespmem:v12+s15+$0x0], $0xffff  }
0xb6: {  	v20 =	vadd.s32 $0x3000, v18;
	v13 =	vld.idx.msk [tilespmem:v13+s15+$0x0], $0xffff  }
0xb7: {  	v21 =	vadd.s32 $0x3000, v19;
	v14 =	vld.idx.msk [tilespmem:v14+s15+$0x0], $0xffff  }
0xb8: {  	v22 =	vadd.s32 $0x6000, v18;
	v15 =	vld.idx.msk [tilespmem:v15+s15+$0x0], $0xffff  }
0xb9: {  	v24 =	vadd.s32 $0x6000, v19;
	v16 =	vld.idx.msk [tilespmem:v16+s15+$0x0], $0xffff  }
0xba: {  	v26 =	vadd.s32 $0x9000, v18;
	v17 =	vld.idx.msk [tilespmem:v17+s15+$0x0], $0xffff  }
0xbb: {  	v27 =	vadd.s32 $0x9000, v19;
	v20 =	vld.idx.msk [tilespmem:v20+s15+$0x0], $0xffff  }
0xbc: {  	v28 =	vadd.s32 $0xC000, v18;
	v21 =	vld.idx.msk [tilespmem:v21+s15+$0x0], $0xffff  }
0xbd: {  	v29 =	vadd.s32 $0xC000, v19;
	v22 =	vld.idx.msk [tilespmem:v22+s15+$0x0], $0xffff  }
0xbe: {  	v30 =	vadd.s32 $0xF000, v18;
	v24 =	vld.idx.msk [tilespmem:v24+s15+$0x0], $0xffff  }
0xbf: {  	v47 =	vadd.s32 $0x6000, v35;
	v26 =	vld.idx.msk [tilespmem:v26+s15+$0x0], $0xffff  }
0xc0: {  	v50 =	vadd.s32 $0x9000, v34;
	v27 =	vld.idx.msk [tilespmem:v27+s15+$0x0], $0xffff  }
0xc1: {  	v52 =	vadd.s32 $0xC000, v34;
	v28 =	vld.idx.msk [tilespmem:v28+s15+$0x0], $0xffff  }
0xc2: {  	v36 =	vadd.s32 $0xC000, v35;
	v29 =	vld.idx.msk [tilespmem:v29+s15+$0x0], $0xffff  }
0xc3: {  	v58 =	vadd.s32 $0x12000, v34;
	v30 =	vld.idx.msk [tilespmem:v30+s15+$0x0], $0xffff  }
0xc4: {  	v1 =	vadd.s32 $0x15000, v1;
	v53 =	vld.idx.msk [tilespmem:v47+s15+$0x0], $0xffff;
	v7 =	vmul.f32 v9, v7  }
0xc5: {  	v31 =	vadd.s32 $0xF000, v19;
	v32 =	vadd.s32 $0x12000, v18;
	v2 =	vadd.s32 $0x15000, v2;
	v55 =	vld.idx.msk [tilespmem:v50+s15+$0x0], $0xffff  }
0xc6: {  	v18 =	vadd.s32 $0x15000, v18;
	v60 =	vld.idx.msk [tilespmem:v52+s15+$0x0], $0xffff;
	v57 =	vmul.f32 v25, v23;
	v7 =	vmul.f32 v7, v7  }
0xc7: {  	v45 =	vadd.s32 $0x6000, v34;
	v62 =	vld.idx.msk [tilespmem:v36+s15+$0x0], $0xffff;
	v3 =	vmul.f32 v4, v3;
	v6 =	vmul.f32 v8, v6  }
0xc8: {  	v33 =	vadd.s32 $0x12000, v19;
	v38 =	vld.idx.msk [tilespmem:v58+s15+$0x0], $0xffff;
	v41 =	vmul.f32 v11, v10;
	v12 =	vmul.f32 v13, v12  }
0xc9: {  	v19 =	vadd.s32 $0x15000, v19;
	v1 =	vld.idx.msk [tilespmem:v1+s15+$0x0], $0xffff;
	v48 =	vmul.f32 v15, v14;
	v16 =	vmul.f32 v17, v16  }
0xca: {  	v2 =	vld.idx.msk [tilespmem:v2+s15+$0x0], $0xffff;
	v20 =	vmul.f32 v21, v20;
	v22 =	vmul.f32 v24, v22  }
0xcb: {  	v40 =	vadd.s32 $0x3000, v34;
	v42 =	vld.idx.msk [tilespmem:v18+s15+$0x0], $0xffff;
	v59 =	vmul.f32 v27, v26;
	v37 =	vmul.f32 v29, v28  }
0xcc: {  	v43 =	vadd.s32 $0x3000, v35;
	v18 =	vld.idx.msk [tilespmem:v45+s15+$0x0], $0xffff;
	v14 =	vmul.f32 v49, v46;
	v45 =	vmul.f32 v62, v60  }
0xcd: {  	v51 =	vadd.s32 $0x9000, v35;
	v9 =	vld.idx.msk [tilespmem:v31+s15+$0x0], $0xffff;
	v3 =	vmul.f32 v3, v3;
	v6 =	vmul.f32 v6, v6  }
0xce: {  	v36 =	vadd.s32 $0x15000, v35;
	v44 =	vld.idx.msk [tilespmem:v19+s15+$0x0], $0xffff;
	v8 =	vmul.f32 v41, v41;
	v12 =	vmul.f32 v12, v12  }
0xcf: {  	v54 =	vadd.s32 $0xF000, v34;
	v31 =	vld.idx.msk [tilespmem:v32+s15+$0x0], $0xffff;
	v13 =	vmul.f32 v48, v48;
	v16 =	vmul.f32 v16, v16  }
0xd0: {  	v63 =	vadd.s32 $0x15000, v34;
	v4 =	vld.idx.msk [tilespmem:v33+s15+$0x0], $0xffff;
	v20 =	vmul.f32 v20, v20;
	v22 =	vmul.f32 v22, v22  }
0xd1: {  	v56 =	vadd.s32 $0xF000, v35;
	v11 =	vld.idx.msk [tilespmem:v43+s15+$0x0], $0xffff;
	v23 =	vmul.f32 v59, v59;
	v43 =	vmul.f32 v14, v14  }
0xd2: {  	v17 =	vld.idx.msk [tilespmem:v51+s15+$0x0], $0xffff;
	v5 =	vadd.f32 v7, v5;
	v1 =	vmul.f32 v2, v1;
	v9 =	vmul.f32 v9, v30  }
0xd3: {  	v61 =	vadd.s32 $0x12000, v35;
	v41 =	vld.idx.msk [tilespmem:v36+s15+$0x0], $0xffff;
	v7 =	vmul.f32 v44, v42;
	v42 =	vmul.f32 v53, v18  }
0xd4: {  	v2 =	vld.idx.msk [tilespmem:v40+s15+$0x0], $0xffff;
	v5 =	vadd.f32 v12, v5;
	v6 =	vadd.f32 v16, v6;
	v16 =	vmul.f32 v57, v57  }
0xd5: {  	v40 =	vld.idx.msk [tilespmem:v63+s15+$0x0], $0xffff;
	v3 =	vadd.f32 v13, v3;
	v1 =	vmul.f32 v1, v1;
	v4 =	vmul.f32 v4, v31  }
0xd6: {  	v15 =	vld.idx.msk [tilespmem:v56+s15+$0x0], $0xffff;
	v9 =	vmul.f32 v9, v9;
	v7 =	vmul.f32 v7, v7  }
0xd7: {  	v13 =	vld.idx.msk [tilespmem:v54+s15+$0x0], $0xffff;
	v44 =	vmul.f32 v42, v42;
	v5 =	vadd.f32 v16, v5;
	v3 =	vadd.f32 v20, v3  }
0xd8: {  	v39 =	vld.idx.msk [tilespmem:v61+s15+$0x0], $0xffff;
	v6 =	vadd.f32 v22, v6;
	v16 =	vmul.f32 v37, v37;
	v4 =	vmul.f32 v4, v4  }
0xd9: {  	v1 =	vadd.f32 v1, v8;
	v8 =	vmul.f32 v17, v55;
	v2 =	vmul.f32 v11, v2  }
0xda: {  	v5 =	vadd.f32 v16, v5;
	v3 =	vadd.f32 v9, v3;
	v47 =	vmul.f32 v41, v40  }
0xdb: {  	v1 =	vadd.f32 v23, v1;
	v8 =	vmul.f32 v8, v8;
	v2 =	vmul.f32 v2, v2  }
0xdc: {  	v4 =	vadd.f32 v4, v6;
	v46 =	vmul.f32 v15, v13;
	v6 =	vmul.f32 v45, v45  }
0xdd: {  	v1 =	vadd.f32 v7, v1;
	v2 =	vadd.f32 v2, v3;
	v3 =	vmul.f32 v39, v38  }
0xde: {  	v5 =	vadd.f32 v43, v5;
	v49 =	vmul.f32 v47, v47;
	v48 =	vmul.f32 v46, v46  }
0xdf: {  	v4 =	vadd.f32 v44, v4;
	v1 =	vadd.f32 v8, v1;
	v3 =	vmul.f32 v3, v3  }
0xe0: {  	v5 =	vadd.f32 v6, v5;
	v2 =	vadd.f32 v48, v2  }
0xe1: {  	v1 =	vadd.f32 v49, v1;
	v3 =	vadd.f32 v3, v4;
	_ =	sdelay $0x1  }
0xe2: {  	v2 =	vadd.f32 v2, v5;
	v1 =	vadd.f32 v1, v3;
	_ =	sdelay $0x1  }
0xe3: {  	v1 =	vadd.f32 v1, v2;
	_ =	sdelay $0x1  }
0xe4: {  	[tilespmem:s29+$0xFFFFFFF0] =	vst v1  }
0xe5: {  	v1 =	vld [tilespmem:s30+$0xFFFFFC00]  }
0xe6: {  	v2 =	vld [tilespmem:s31+$0xFFFFFC00]  }
0xe7: {  	v63 =	vld [tilespmem:s30+$0x0]  }
0xe8: {  	v36 =	vld [tilespmem:s31+$0x0];
	_ =	sdelay $0x1  }
0xe9: {  	v5 =	vld [tilespmem:s29+$0x0]  }
0xea: {  	v49 =	vld [tilespmem:s30+$0x400]  }
0xeb: {  	v35 =	vld [tilespmem:s31+$0x400];
	v3 =	vadd.s32 $0x3000, v1  }
0xec: {  	v50 =	vadd.s32 $0x3000, v2;
	v52 =	vld.idx.msk [tilespmem:v1+s15+$0x0], $0xffff  }
0xed: {  	v51 =	vadd.s32 $0x6000, v1;
	v54 =	vld.idx.msk [tilespmem:v2+s15+$0x0], $0xffff  }
0xee: {  	v53 =	vadd.s32 $0x6000, v2;
	v23 =	vld.idx.msk [tilespmem:v63+s15+$0x0], $0xffff  }
0xef: {  	v55 =	vadd.s32 $0x9000, v1;
	v25 =	vld.idx.msk [tilespmem:v36+s15+$0x0], $0xffff  }
0xf0: {  	v56 =	vadd.s32 $0x9000, v2;
	v3 =	vld.idx.msk [tilespmem:v3+s15+$0x0], $0xffff  }
0xf1: {  	v57 =	vadd.s32 $0xC000, v1;
	v4 =	vld.idx.msk [tilespmem:v50+s15+$0x0], $0xffff  }
0xf2: {  	v58 =	vadd.s32 $0xC000, v2;
	v6 =	vld.idx.msk [tilespmem:v51+s15+$0x0], $0xffff  }
0xf3: {  	v59 =	vadd.s32 $0xF000, v1;
	v8 =	vld.idx.msk [tilespmem:v53+s15+$0x0], $0xffff  }
0xf4: {  	v60 =	vadd.s32 $0xF000, v2;
	v10 =	vld.idx.msk [tilespmem:v55+s15+$0x0], $0xffff  }
0xf5: {  	v61 =	vadd.s32 $0x12000, v1;
	v11 =	vld.idx.msk [tilespmem:v56+s15+$0x0], $0xffff  }
0xf6: {  	v62 =	vadd.s32 $0x12000, v2;
	v12 =	vld.idx.msk [tilespmem:v57+s15+$0x0], $0xffff  }
0xf7: {  	v37 =	vadd.s32 $0x3000, v63;
	v13 =	vld.idx.msk [tilespmem:v58+s15+$0x0], $0xffff  }
0xf8: {  	v38 =	vadd.s32 $0x3000, v36;
	v14 =	vld.idx.msk [tilespmem:v59+s15+$0x0], $0xffff  }
0xf9: {  	v39 =	vadd.s32 $0x6000, v63;
	v15 =	vld.idx.msk [tilespmem:v60+s15+$0x0], $0xffff  }
0xfa: {  	v40 =	vadd.s32 $0x6000, v36;
	v16 =	vld.idx.msk [tilespmem:v61+s15+$0x0], $0xffff  }
0xfb: {  	v41 =	vadd.s32 $0x9000, v63;
	v17 =	vld.idx.msk [tilespmem:v62+s15+$0x0], $0xffff  }
0xfc: {  	v42 =	vadd.s32 $0x9000, v36;
	v20 =	vld.idx.msk [tilespmem:v37+s15+$0x0], $0xffff  }
0xfd: {  	v43 =	vadd.s32 $0xC000, v63;
	v21 =	vld.idx.msk [tilespmem:v38+s15+$0x0], $0xffff  }
0xfe: {  	v44 =	vadd.s32 $0xC000, v36;
	v22 =	vld.idx.msk [tilespmem:v39+s15+$0x0], $0xffff  }
0xff: {  	v45 =	vadd.s32 $0xF000, v63;
	v24 =	vld.idx.msk [tilespmem:v40+s15+$0x0], $0xffff  }
0x100: {  	v46 =	vadd.s32 $0xF000, v36;
	v26 =	vld.idx.msk [tilespmem:v41+s15+$0x0], $0xffff  }
0x101: {  	v47 =	vadd.s32 $0x12000, v63;
	v27 =	vld.idx.msk [tilespmem:v42+s15+$0x0], $0xffff  }
0x102: {  	v28 =	vld.idx.msk [tilespmem:v43+s15+$0x0], $0xffff  }
0x103: {  	v29 =	vld.idx.msk [tilespmem:v44+s15+$0x0], $0xffff  }
0x104: {  	v1 =	vadd.s32 $0x15000, v1;
	v30 =	vld.idx.msk [tilespmem:v45+s15+$0x0], $0xffff  }
0x105: {  	v2 =	vadd.s32 $0x15000, v2;
	v9 =	vld.idx.msk [tilespmem:v46+s15+$0x0], $0xffff  }
0x106: {  	v18 =	vadd.s32 $0x15000, v63;
	v31 =	vld.idx.msk [tilespmem:v47+s15+$0x0], $0xffff  }
0x107: {  	v19 =	vadd.s32 $0x15000, v36;
	v56 =	vld.idx.msk [tilespmem:v49+s15+$0x0], $0xffff  }
0x108: {  	v48 =	vadd.s32 $0x12000, v36;
	v59 =	vld.idx.msk [tilespmem:v35+s15+$0x0], $0xffff;
	v7 =	vmul.f32 v54, v52  }
0x109: {  	v63 =	vadd.s32 $0xC000, v35;
	v53 =	vadd.s32 $0x3000, v35;
	v1 =	vld.idx.msk [tilespmem:v1+s15+$0x0], $0xffff;
	v42 =	vmul.f32 v25, v23  }
0x10a: {  	v55 =	vadd.s32 $0x6000, v49;
	v2 =	vld.idx.msk [tilespmem:v2+s15+$0x0], $0xffff;
	v7 =	vmul.f32 v7, v7;
	v3 =	vmul.f32 v4, v3  }
0x10b: {  	v57 =	vadd.s32 $0x6000, v35;
	v52 =	vld.idx.msk [tilespmem:v18+s15+$0x0], $0xffff;
	v6 =	vmul.f32 v8, v6;
	v51 =	vmul.f32 v11, v10  }
0x10c: {  	v60 =	vadd.s32 $0x9000, v49;
	v54 =	vld.idx.msk [tilespmem:v19+s15+$0x0], $0xffff;
	v12 =	vmul.f32 v13, v12;
	v58 =	vmul.f32 v15, v14  }
0x10d: {  	v62 =	vadd.s32 $0xC000, v49;
	v4 =	vld.idx.msk [tilespmem:v48+s15+$0x0], $0xffff;
	v16 =	vmul.f32 v17, v16;
	v20 =	vmul.f32 v21, v20  }
0x10e: {  	v50 =	vadd.s32 $0x3000, v49;
	v11 =	vld.idx.msk [tilespmem:v53+s15+$0x0], $0xffff;
	v22 =	vmul.f32 v24, v22;
	v44 =	vmul.f32 v27, v26  }
0x10f: {  	v43 =	vadd.s32 $0x12000, v49;
	v18 =	vld.idx.msk [tilespmem:v55+s15+$0x0], $0xffff;
	v47 =	vmul.f32 v29, v28;
	v9 =	vmul.f32 v9, v30  }
0x110: {  	v46 =	vadd.s32 $0x12000, v35;
	v38 =	vld.idx.msk [tilespmem:v57+s15+$0x0], $0xffff;
	v14 =	vmul.f32 v59, v56;
	v3 =	vmul.f32 v3, v3  }
0x111: {  	v61 =	vadd.s32 $0x9000, v35;
	v40 =	vld.idx.msk [tilespmem:v60+s15+$0x0], $0xffff;
	v6 =	vmul.f32 v6, v6;
	v8 =	vmul.f32 v51, v51  }
0x112: {  	v39 =	vadd.s32 $0xF000, v49;
	v45 =	vld.idx.msk [tilespmem:v62+s15+$0x0], $0xffff;
	v12 =	vmul.f32 v12, v12;
	v13 =	vmul.f32 v58, v58  }
0x113: {  	v41 =	vadd.s32 $0xF000, v35;
	v48 =	vld.idx.msk [tilespmem:v63+s15+$0x0], $0xffff;
	v16 =	vmul.f32 v16, v16;
	v20 =	vmul.f32 v20, v20  }
0x114: {  	v49 =	vadd.s32 $0x15000, v49;
	v53 =	vld.idx.msk [tilespmem:v43+s15+$0x0], $0xffff;
	v51 =	vmul.f32 v22, v22;
	v9 =	vmul.f32 v9, v9  }
0x115: {  	v55 =	vld.idx.msk [tilespmem:v46+s15+$0x0], $0xffff;
	v5 =	vadd.f32 v7, v5;
	v60 =	vmul.f32 v14, v14;
	v1 =	vmul.f32 v2, v1  }
0x116: {  	v2 =	vld.idx.msk [tilespmem:v50+s15+$0x0], $0xffff;
	v50 =	vadd.s32 $0x15000, v35;
	v7 =	vmul.f32 v54, v52;
	v52 =	vmul.f32 v44, v44  }
0x117: {  	v17 =	vld.idx.msk [tilespmem:v61+s15+$0x0], $0xffff;
	v54 =	vmul.f32 v47, v47;
	v6 =	vadd.f32 v16, v6;
	v16 =	vmul.f32 v42, v42  }
0x118: {  	v15 =	vld.idx.msk [tilespmem:v41+s15+$0x0], $0xffff;
	v5 =	vadd.f32 v12, v5;
	v1 =	vmul.f32 v1, v1;
	v4 =	vmul.f32 v4, v31  }
0x119: {  	v56 =	vld.idx.msk [tilespmem:v49+s15+$0x0], $0xffff;
	v3 =	vadd.f32 v13, v3;
	v57 =	vmul.f32 v38, v18;
	v7 =	vmul.f32 v7, v7  }
0x11a: {  	v13 =	vld.idx.msk [tilespmem:v39+s15+$0x0], $0xffff;
	v59 =	vmul.f32 v48, v45;
	v62 =	vmul.f32 v55, v53;
	v5 =	vadd.f32 v16, v5  }
0x11b: {  	v3 =	vadd.f32 v20, v3;
	v6 =	vadd.f32 v51, v6;
	v4 =	vmul.f32 v4, v4;
	v58 =	vld.idx.msk [tilespmem:v50+s15+$0x0], $0xffff  }
0x11c: {  	v1 =	vadd.f32 v1, v8;
	v8 =	vmul.f32 v17, v40;
	v2 =	vmul.f32 v11, v2  }
0x11d: {  	v63 =	vmul.f32 v62, v62;
	v5 =	vadd.f32 v54, v5;
	v3 =	vadd.f32 v9, v3  }
0x11e: {  	v11 =	vmul.f32 v57, v57;
	v1 =	vadd.f32 v52, v1;
	v2 =	vmul.f32 v2, v2  }
0x11f: {  	v4 =	vadd.f32 v4, v6;
	v61 =	vmul.f32 v15, v13;
	v8 =	vmul.f32 v8, v8  }
0x120: {  	v1 =	vadd.f32 v7, v1;
	v2 =	vadd.f32 v2, v3;
	v3 =	vmul.f32 v58, v56  }
0x121: {  	v6 =	vmul.f32 v59, v59;
	v5 =	vadd.f32 v60, v5;
	v4 =	vadd.f32 v11, v4  }
0x122: {  	v7 =	vmul.f32 v61, v61;
	v1 =	vadd.f32 v8, v1;
	v3 =	vmul.f32 v3, v3  }
0x123: {  	v5 =	vadd.f32 v6, v5;
	v4 =	vadd.f32 v63, v4  }
0x124: {  	s28 =	sadd.s32 $0x2, s28;
	v2 =	vadd.f32 v7, v2;
	v1 =	vadd.f32 v3, v1  }
0x125: {  	p2 =	slt.u32 s28, $0x3E  }
.Ltmp5:
0x126: {  	v2 =	vadd.f32 v2, v5;
	v1 =	vadd.f32 v1, v4;
	(pc) =	sbr.rel @p2 .LBB2_5-.Ltmp5, $3  }
0x127: {  	_ = 	snop  }
0x128: {  	v1 =	vadd.f32 v1, v2;
	_ =	sdelay $0x1  }
0x129: {  	s30 =	sadd.s32 $0x20, s30;
	s31 =	sadd.s32 $0x20, s31;
	[tilespmem:s29+$0x0] =	vst v1;
	s29 =	sadd.s32 $0x20, s29  }
0x12a: {  	[spmem:s10] =	stream.linear.scatter [tilespmem:s24], [sflag:$0x2], $0x400, $0x38;
	[tilespmem:$0x1D400] =	vst v63  }
.Ltmp6:
0x12b: {  	_ =	swait.ge [sflag:s17], $0x400;
	(pc) =	sbr.rel @p1 .LBB2_10-.Ltmp6, $3  }
0x12c: {  	[sflag:s17] =	ssyncset.done $0x0  }
0x12d: {  	[sflag:s17] =	ssyncadd.s32 $0xFFFFFC00  }
0x12e: {  	[bflag:$0x0] =	sbarrier.arrive $0xFFFF;
	_ =	sdelay $0x1  }
0x12f: {  	[tilespmem:s25], [sflag:$0x2] =	stream.linear.gather [spmem:s12], $0x400, $0x38;
	[tilespmem:$0x1D400] =	vst v63  }
0x130: {  	_ =	swait.ge [sflag:s17], $0x400  }
0x131: {  	[sflag:s17] =	ssyncset.done $0x0  }
0x132: {  	s28 =	simm.s32 $0x1C820;
	[sflag:s17] =	ssyncadd.s32 $0xFFFFFC00  }
0x133: {  	s29 =	simm.s32 $0x1CC20;
	v1 =	vld [tilespmem:s28+$0xFFFFFFE0]  }
0x134: {  	v2 =	vld [tilespmem:s29+$0xFFFFFFE0];
	_ =	sdelay $0x4  }
0x135: {  	v1 =	vadd.f32 v2, v1;
	_ =	sdelay $0x1  }
0x136: {  	[tilespmem:s28+$0xFFFFFFE0] =	vst v1;
	v1 =	vld [tilespmem:s28+$0xFFFFFFF0]  }
0x137: {  	v2 =	vld [tilespmem:s29+$0xFFFFFFF0];
	_ =	sdelay $0x4  }
0x138: {  	v1 =	vadd.f32 v2, v1;
	_ =	sdelay $0x1  }
0x139: {  	[tilespmem:s28+$0xFFFFFFF0] =	vst v1;
	v1 =	vld [tilespmem:s28+$0x0]  }
0x13a: {  	v2 =	vld [tilespmem:s29+$0x0];
	_ =	sdelay $0x4  }
0x13b: {  	v1 =	vadd.f32 v2, v1;
	_ =	sdelay $0x1  }
0x13c: {  	[tilespmem:s28+$0x0] =	vst v1;
	v1 =	vld [tilespmem:s28+$0x10]  }
0x13d: {  	v2 =	vld [tilespmem:s29+$0x10];
	_ =	sdelay $0x4  }
0x13e: {  	v1 =	vadd.f32 v2, v1  }
0x13f: {  	s30 =	simm.s32 $0x0;
	s31 =	simm.s32 $0x1C860  }
.LBB2_8:
0x140: {  	v2 =	vld [tilespmem:s31+$0xFFFFFFE0];
	[tilespmem:s28+$0x10] =	vst v1;
	s29 =	sadd.s32 $0x40, s29;
	s28 =	smov.u32 s31  }
0x141: {  	s30 =	sadd.s32 $0x4, s30;
	v1 =	vld [tilespmem:s29+$0xFFFFFFE0]  }
0x142: {  	p2 =	slt.u32 s30, $0x3C;
	_ =	sdelay $0x3  }
0x143: {  	v1 =	vadd.f32 v1, v2;
	_ =	sdelay $0x1  }
0x144: {  	[tilespmem:s31+$0xFFFFFFE0] =	vst v1;
	v1 =	vld [tilespmem:s31+$0xFFFFFFF0]  }
0x145: {  	v2 =	vld [tilespmem:s29+$0xFFFFFFF0];
	_ =	sdelay $0x4  }
0x146: {  	v1 =	vadd.f32 v2, v1;
	_ =	sdelay $0x1  }
0x147: {  	[tilespmem:s31+$0xFFFFFFF0] =	vst v1;
	v1 =	vld [tilespmem:s31+$0x0]  }
0x148: {  	v2 =	vld [tilespmem:s29+$0x0];
	_ =	sdelay $0x4  }
0x149: {  	v1 =	vadd.f32 v2, v1;
	_ =	sdelay $0x1  }
0x14a: {  	[tilespmem:s31+$0x0] =	vst v1;
	v1 =	vld [tilespmem:s31+$0x10]  }
0x14b: {  	v2 =	vld [tilespmem:s29+$0x10];
	_ =	sdelay $0x1  }
.Ltmp7:
0x14c: {  	(pc) =	sbr.rel @p2 .LBB2_8-.Ltmp7, $3  }
0x14d: {  	_ =	sdelay $0x1  }
0x14e: {  	v1 =	vadd.f32 v2, v1  }
0x14f: {  	s31 =	sadd.s32 $0x40, s31  }
.Ltmp8:
0x150: {  	_ = 	snop;
	(pc) =	sbr.rel .LBB2_9-.Ltmp8, $1  }
0x151: {  	_ =	sdelay $0x3  }
.LBB2_11:
0x152: {  	_ =	sfence.sel $0x180000  }
0x153: {  	[bflag:$0x0] =	sbarrier.arrive $0xFFFF  }
0x154: {  	p0 =	sne.s32 s1, $0x0;
	_ =	strace $0x90000047  }
0x155: {  	s0 =	sadd.s32 @!p0 $0x100000, s0;
	[bflag:$0x2] =	sbarrier.arrive $0xFFFF  }
0x156: {  	[sflag:s0] =	ssyncadd.tile.s32 @!p0 $0x1;
	_ =	shalt  }
.Lfunc_end2:
_tile_overlayer_lowered:
.L_overlay_start_2:
0x157: {  	(tag) =	ssettag $0x2  }
0x158: {  	s0 =	rddreg [dreg:$0x0];
	s2 =	stileid.u32  }
0x159: {  	s1 =	rddreg [dreg:$0x1];
	p0 =	sne.s32 s2, $0x0  }
0x15a: {  	s3 =	rddreg [dreg:$0x2];
	[bflag:$0x3] =	sbarrier.arrive $0xFFFF;
	s2 =	simm.s32 @!p0 $0x1C02  }
0x15b: {  	[timem:s3], [sflag:s2] =	dma.local @!p0 [hbm:s0], s1  }
0x15c: {  	s0 =	simm.s32 @!p0 $0x2  }
0x15d: {  	_ =	swait.ge @!p0 [sflag:s0], s1  }
0x15e: {  	s1 =	ssub.s32 @!p0 $0x0, s1;
	[sflag:s0] =	ssyncset.done @!p0 $0x0  }
0x15f: {  	[sflag:s0] =	ssyncadd.s32 @!p0 s1  }
0x160: {  	[bflag:$0x3] =	sbarrier.arrive $0xFFFF  }
0x161: {  	_ =	shalt  }

</sc_bundles>
